<compile_context>
chip_gen: v7x
topology: tpu7x:2x2x1
jax: 0.10.2.dev20260603
libtpu: 0.0.44.dev20260713+nightly
codegen_flags: <defaults>
</compile_context>

<pallas_src>
import functools
import jax
import jax.numpy as jnp
from jax import lax
from jax.experimental import pallas as pl
from jax.experimental.pallas import tpu as pltpu
from jax.experimental.pallas import tpu_sc as plsc

NN = 10000
EE = 320000
DD = 128
HH = 64
GG = 100
CC = 10

NCORE = 2
NSUB = 16
NWORK = NCORE * NSUB
EPW = EE // NWORK
CHUNK = 128
NCHUNK = 79
EPWP = NCHUNK * CHUNK
NEPAD = EPWP - EPW
RB = 1000
NRB = NN // RB
NPAD = 10240
RPS = NPAD // NSUB


def _sigmoid(t):
    return 1.0 / (1.0 + jnp.exp(-t))



def _first_body(x_ref, w_ref, z_ref):
    xb = x_ref[...]
    xh = jnp.concatenate([xb, 1.0 - xb], axis=1)
    z_ref[...] = jnp.dot(xh, w_ref[...], preferred_element_type=jnp.float32,
                         precision=lax.Precision.HIGHEST)


def _tc_first(x, W0):
    return pl.pallas_call(
        _first_body,
        grid=(NRB,),
        in_specs=[
            pl.BlockSpec((RB, DD), lambda i: (i, 0)),
            pl.BlockSpec((2 * DD, HH), lambda i: (0, 0)),
        ],
        out_specs=pl.BlockSpec((RB, HH), lambda i: (i, 0)),
        out_shape=jax.ShapeDtypeStruct((NPAD, HH), jnp.float32),
    )(x, W0)


def _mid_body(z_ref, p0_ref, p1_ref, b_ref, w_ref, h_ref, zn_ref):
    t = 2.0 * z_ref[...] + p0_ref[0] + p1_ref[0] + b_ref[...]
    h = _sigmoid(t)
    h_ref[...] = h
    xh = jnp.concatenate([h, 1.0 - h], axis=1)
    zn_ref[...] = jnp.dot(xh, w_ref[...], preferred_element_type=jnp.float32,
                          precision=lax.Precision.HIGHEST)


def _tc_mid(z, pa, b_row, Wn):
    return pl.pallas_call(
        _mid_body,
        grid=(NRB,),
        in_specs=[
            pl.BlockSpec((RB, HH), lambda i: (i, 0)),
            pl.BlockSpec((1, RB, HH), lambda i: (0, i, 0)),
            pl.BlockSpec((1, RB, HH), lambda i: (1, i, 0)),
            pl.BlockSpec((1, HH), lambda i: (0, 0)),
            pl.BlockSpec((2 * HH, HH), lambda i: (0, 0)),
        ],
        out_specs=[
            pl.BlockSpec((RB, HH), lambda i: (i, 0)),
            pl.BlockSpec((RB, HH), lambda i: (i, 0)),
        ],
        out_shape=[
            jax.ShapeDtypeStruct((NN, HH), jnp.float32),
            jax.ShapeDtypeStruct((NPAD, HH), jnp.float32),
        ],
    )(z, pa, pa, b_row, Wn)


def _pool_body(h1_ref, h2_ref, z2_ref, p0_ref, p1_ref, b_ref, bat_ref,
               bcol_ref, ssum_ref, smax_ref, cnt_ref):
    i = pl.program_id(0)

    @pl.when(i == 0)
    def _():
        ssum_ref[...] = jnp.zeros_like(ssum_ref)
        smax_ref[...] = jnp.zeros_like(smax_ref)
        cnt_ref[...] = jnp.zeros_like(cnt_ref)

    t = 2.0 * z2_ref[...] + p0_ref[0] + p1_ref[0] + b_ref[...]
    h3 = _sigmoid(t)
    xb = jnp.concatenate([h1_ref[...], h2_ref[...], h3], axis=1)
    bb = bat_ref[0]
    bcol = bcol_ref[...]

    xs = xb
    s = 1
    while s < RB:
        bshift = jnp.concatenate(
            [jnp.full((s, 1), -1, jnp.int32), bcol[:RB - s]], axis=0)
        ok = bcol == bshift
        xshift = jnp.concatenate(
            [jnp.zeros((s, 3 * HH), jnp.float32), xs[:RB - s]], axis=0)
        xs = jnp.maximum(xs, jnp.where(ok, xshift, 0.0))
        s *= 2

    gid = lax.broadcasted_iota(jnp.int32, (GG, RB), 0)
    m = (bb == gid).astype(jnp.float32)
    islast = jnp.concatenate(
        [(bb[:, 1:] != bb[:, :-1]).astype(jnp.float32),
         jnp.ones((1, 1), jnp.float32)], axis=1)
    msel = m * islast

    cnt_ref[...] += jnp.sum(m, axis=1, keepdims=True) * jnp.ones(
        (1, 128), jnp.float32)
    ssum_ref[...] += jnp.dot(m, xb, preferred_element_type=jnp.float32)
    smax_ref[...] = jnp.maximum(
        smax_ref[...], jnp.dot(msel, xs, preferred_element_type=jnp.float32))


def _tc_pool(h1, h2, z2, pa, b_row, bat3, bcol):
    return pl.pallas_call(
        _pool_body,
        grid=(NRB,),
        in_specs=[
            pl.BlockSpec((RB, HH), lambda i: (i, 0)),
            pl.BlockSpec((RB, HH), lambda i: (i, 0)),
            pl.BlockSpec((RB, HH), lambda i: (i, 0)),
            pl.BlockSpec((1, RB, HH), lambda i: (0, i, 0)),
            pl.BlockSpec((1, RB, HH), lambda i: (1, i, 0)),
            pl.BlockSpec((1, HH), lambda i: (0, 0)),
            pl.BlockSpec((1, 1, RB), lambda i: (i, 0, 0)),
            pl.BlockSpec((RB, 1), lambda i: (i, 0)),
        ],
        out_specs=[
            pl.BlockSpec((GG, 3 * HH), lambda i: (0, 0)),
            pl.BlockSpec((GG, 3 * HH), lambda i: (0, 0)),
            pl.BlockSpec((GG, 128), lambda i: (0, 0)),
        ],
        out_shape=[
            jax.ShapeDtypeStruct((GG, 3 * HH), jnp.float32),
            jax.ShapeDtypeStruct((GG, 3 * HH), jnp.float32),
            jax.ShapeDtypeStruct((GG, 128), jnp.float32),
        ],
    )(h1, h2, z2, pa, pa, b_row, bat3, bcol)


def _head_body(ssum_ref, smax_ref, cnt_ref, w_ref, b_ref, out_ref):
    ssum = ssum_ref[...]
    cnt = cnt_ref[:, 0:1]
    mean = ssum / jnp.maximum(cnt, 1.0)
    g = jnp.concatenate([mean, smax_ref[...], ssum], axis=1)
    gf = jnp.concatenate([g, 1.0 - g], axis=1)
    t = jnp.dot(gf, w_ref[...], preferred_element_type=jnp.float32) + b_ref[...]
    out_ref[...] = _sigmoid(t)


def _tc_head(ssum, smax, cnt, Wfc, bfc_row):
    return pl.pallas_call(
        _head_body,
        in_specs=[
            pl.BlockSpec((GG, 3 * HH), lambda: (0, 0)),
            pl.BlockSpec((GG, 3 * HH), lambda: (0, 0)),
            pl.BlockSpec((GG, 128), lambda: (0, 0)),
            pl.BlockSpec((18 * HH, CC), lambda: (0, 0)),
            pl.BlockSpec((1, CC), lambda: (0, 0)),
        ],
        out_specs=pl.BlockSpec((GG, CC), lambda: (0, 0)),
        out_shape=jax.ShapeDtypeStruct((GG, CC), jnp.float32),
    )(ssum, smax, cnt, Wfc, bfc_row)



@functools.partial(
    pl.kernel,
    out_type=jax.ShapeDtypeStruct((NCORE, NPAD, HH), jnp.float32),
    mesh=plsc.VectorSubcoreMesh(core_axis_name="c", subcore_axis_name="s"),
    compiler_params=pltpu.CompilerParams(use_tc_tiling_on_sc=False),
    scratch_types=[
        pltpu.VMEM((NCHUNK, CHUNK), jnp.int32),
        pltpu.VMEM((NCHUNK, CHUNK), jnp.int32),
        pltpu.VMEM((CHUNK, HH), jnp.float32),
        pltpu.VMEM((CHUNK, HH), jnp.float32),
        pltpu.VMEM_SHARED((NPAD, HH), jnp.float32),
        pltpu.SemaphoreType.DMA,
        pltpu.SemaphoreType.DMA,
    ],
)
def _sc_segsum(z_hbm, srcr_hbm, dstr_hbm, zeros_hbm, out_hbm,
               src_v, dst_v, rows0, rows1, acc, sem0, sem1):
    c = lax.axis_index("c")
    s = lax.axis_index("s")
    wid = c * NSUB + s
    pltpu.sync_copy(zeros_hbm.at[pl.ds(s * RPS, RPS)],
                    acc.at[pl.ds(s * RPS, RPS)])
    pltpu.sync_copy(srcr_hbm.at[wid], src_v)
    pltpu.sync_copy(dstr_hbm.at[wid], dst_v)
    plsc.subcore_barrier()

    HALF = NCHUNK // 2
    pltpu.async_copy(z_hbm.at[src_v.at[0]], rows0, sem0)

    def body(g, carry):
        i0 = 2 * g
        pltpu.async_copy(z_hbm.at[src_v.at[i0 + 1]], rows1, sem1)
        pltpu.make_async_copy(z_hbm.at[src_v.at[i0]], rows0, sem0).wait()
        pltpu.sync_copy(rows0, acc.at[dst_v.at[i0]], add=True)
        pltpu.async_copy(z_hbm.at[src_v.at[i0 + 2]], rows0, sem0)
        pltpu.make_async_copy(z_hbm.at[src_v.at[i0 + 1]], rows1, sem1).wait()
        pltpu.sync_copy(rows1, acc.at[dst_v.at[i0 + 1]], add=True)
        return carry

    lax.fori_loop(0, HALF, body, 0)
    pltpu.make_async_copy(z_hbm.at[src_v.at[NCHUNK - 1]], rows0, sem0).wait()
    pltpu.sync_copy(rows0, acc.at[dst_v.at[NCHUNK - 1]], add=True)

    plsc.subcore_barrier()
    pltpu.sync_copy(acc.at[pl.ds(s * RPS, RPS)],
                    out_hbm.at[c, pl.ds(s * RPS, RPS)])



def kernel(x, edge_index, batch, W0, b0, W1, b1, W2, b2, Wfc, bfc):
    src = jnp.concatenate(
        [edge_index[0].reshape(NWORK, EPW),
         jnp.zeros((NWORK, NEPAD), jnp.int32)], axis=1).reshape(
            NWORK, NCHUNK, CHUNK)
    dst = jnp.concatenate(
        [edge_index[1].reshape(NWORK, EPW),
         jnp.full((NWORK, NEPAD), NN, jnp.int32)], axis=1).reshape(
            NWORK, NCHUNK, CHUNK)
    zeros = jnp.zeros((NPAD, HH), jnp.float32)
    bat3 = batch.reshape(NRB, 1, RB)
    bcol = batch.reshape(NN, 1)
    b0r = b0.reshape(1, HH)
    b1r = b1.reshape(1, HH)
    b2r = b2.reshape(1, HH)
    bfcr = bfc.reshape(1, CC)

    z0 = _tc_first(x, W0)
    pa = _sc_segsum(z0, src, dst, zeros)
    h1, z1 = _tc_mid(z0, pa, b0r, W1)
    pa = _sc_segsum(z1, src, dst, zeros)
    h2, z2 = _tc_mid(z1, pa, b1r, W2)
    pa = _sc_segsum(z2, src, dst, zeros)
    ssum, smax, cnt = _tc_pool(h1, h2, z2, pa, b2r, bat3, bcol)
    return _tc_head(ssum, smax, cnt, Wfc, bfcr)

# --- scband reference (transcript-rebuilt; emitter-appended) ---
"""Pipeline reference for scband-gintell-80453327388882 (READ-ONLY COPY).

The authoritative reference and input builder live on the scoring server;
editing this copy changes nothing except your own understanding.
"""

import jax, jax.numpy as jnp
import numpy as np

N = 10000
E = 320000
D = 128
H = 64
C = 10
G = 100
EPS = 1.0


def setup_inputs(seed: int = 0) -> dict:
    key = jax.random.key(seed)
    ks = jax.random.split(key, 10)
    x = jax.random.uniform(ks[0], (N, D), dtype=jnp.float32)
    edge_index = jax.random.randint(ks[1], (2, E), 0, N, dtype=jnp.int32)
    batch = jnp.sort(jax.random.randint(ks[2], (N,), 0, G, dtype=jnp.int32))
    W0 = jax.random.normal(ks[3], (2 * D, H), dtype=jnp.float32) * 0.1
    b0 = jnp.zeros((H,), dtype=jnp.float32)
    W1 = jax.random.normal(ks[4], (2 * H, H), dtype=jnp.float32) * 0.1
    b1 = jnp.zeros((H,), dtype=jnp.float32)
    W2 = jax.random.normal(ks[5], (2 * H, H), dtype=jnp.float32) * 0.1
    b2 = jnp.zeros((H,), dtype=jnp.float32)
    Wfc = jax.random.normal(ks[6], (2 * 3 * 3 * H, C), dtype=jnp.float32) * 0.1
    bfc = jnp.zeros((C,), dtype=jnp.float32)
    return {"x": x, "edge_index": edge_index, "batch": batch,
            "W0": W0, "b0": b0, "W1": W1, "b1": b1, "W2": W2, "b2": b2,
            "Wfc": Wfc, "bfc": bfc}


def _logical_layer(x, W, b):
    # LogicalLayer: affine map squashed to [0,1] so fuzzy-logic complements (1 - x) are well defined
    return jax.nn.sigmoid(x @ W + b)


def reference(x, edge_index, batch, W0, b0, W1, b1, W2, b2, Wfc, bfc):
    src = edge_index[0]
    dst = edge_index[1]
    xs = []
    h = x
    for (W, b) in ((W0, b0), (W1, b1), (W2, b2)):
        xh = jnp.concatenate([h, 1.0 - h], axis=1)
        msg = jnp.take(xh, src, axis=0)
        agg = jax.ops.segment_sum(msg, dst, num_segments=N)
        h = _logical_layer((1.0 + EPS) * xh + agg, W, b)
        xs.append(h)
    X = jnp.concatenate(xs, axis=1)
    ssum = jax.ops.segment_sum(X, batch, num_segments=G)
    cnt = jax.ops.segment_sum(jnp.ones((X.shape[0], 1), X.dtype), batch, num_segments=G)
    mean = ssum / jnp.maximum(cnt, 1.0)
    smax = jax.ops.segment_max(X, batch, num_segments=G)
    smax = jnp.where(jnp.isfinite(smax), smax, 0.0)
    g = jnp.concatenate([mean, smax, ssum], axis=1)
    gf = jnp.concatenate([g, 1.0 - g], axis=1)
    out = _logical_layer(gf, Wfc, bfc)
    return out

if __name__ == "__main__":
    import jax
    _d = setup_inputs()
    print(jax.jit(kernel)(*tuple(_d.values())))

</pallas_src>

<mosaic_0001>
#map = affine_map<(d0, d1) -> (0, 0)>
#map1 = affine_map<(d0, d1) -> (0, 0, 0)>
module attributes {stable_mosaic.version = 14 : i64} {
  func.func @_sc_segsum(%arg0: i32, %arg1: i32, %arg2: memref<10240x64xf32, #tpu.memory_space<hbm>>, %arg3: memref<32x79x128xi32, #tpu.memory_space<hbm>>, %arg4: memref<32x79x128xi32, #tpu.memory_space<hbm>>, %arg5: memref<10240x64xf32, #tpu.memory_space<hbm>>, %arg6: memref<2x10240x64xf32, #tpu.memory_space<hbm>>, %arg7: memref<79x128xi32, #tpu.memory_space<vmem>>, %arg8: memref<79x128xi32, #tpu.memory_space<vmem>>, %arg9: memref<128x64xf32, #tpu.memory_space<vmem>>, %arg10: memref<128x64xf32, #tpu.memory_space<vmem>>, %arg11: memref<10240x64xf32, #tpu.memory_space<vmem_shared>>, %arg12: memref<!tpu.dma_semaphore, #tpu.memory_space<semaphore_mem>>, %arg13: memref<!tpu.dma_semaphore, #tpu.memory_space<semaphore_mem>>) attributes {dimension_semantics = [#tpu.dimension_semantics<core_parallel>, #tpu.dimension_semantics<subcore_parallel>], iteration_bounds = array<i64: 2, 16>, scalar_prefetch = 0 : i64, scratch_operands = 7 : i64, tpu.core_type = #tpu.core_type<sc_vector_subcore>, window_params = [{transform_indices = #map}, {transform_indices = #map1}, {transform_indices = #map1}, {transform_indices = #map}, {transform_indices = #map1}]} {
    %mul3A = arith.constant 16 : i32
    %mul3A_0 = arith.muli %arg0, %mul3A : i32
    %add3A = arith.addi %mul3A_0, %arg1 : i32
    %mul3A_1 = arith.constant 640 : i32
    %mul3A_2 = arith.muli %arg1, %mul3A_1 : i32
    %mul3A_3 = arith.constant 640 : i32
    %mul3A_4 = arith.muli %arg1, %mul3A_3 : i32
    "tpu.region"() ({
      %run_scoped3A_27 = tpu.sem_alloc : memref<!tpu.dma_semaphore, #tpu.memory_space<semaphore_mem>>
      %dma_start3A_28 = arith.constant 0 : i32
      %dma_start3A_29 = tpu.memref_slice %arg11[%mul3A_4, %dma_start3A_28] : memref<10240x64xf32, #tpu.memory_space<vmem_shared>> -> memref<640x64xf32, #tpu.memory_space<vmem_shared>>
      %dma_start3A_30 = arith.constant 0 : i32
      %dma_start3A_31 = tpu.memref_slice %arg5[%mul3A_2, %dma_start3A_30] : memref<10240x64xf32, #tpu.memory_space<hbm>> -> memref<640x64xf32, #tpu.memory_space<hbm>>
      tpu.enqueue_dma source(%dma_start3A_31 : memref<640x64xf32, #tpu.memory_space<hbm>>) target(%dma_start3A_29 : memref<640x64xf32, #tpu.memory_space<vmem_shared>>) target_semaphore(%run_scoped3A_27 : memref<!tpu.dma_semaphore, #tpu.memory_space<semaphore_mem>>)
      %dma_wait3A_32 = arith.constant 0 : i32
      %dma_wait3A_33 = tpu.memref_slice %arg11[%mul3A_4, %dma_wait3A_32] : memref<10240x64xf32, #tpu.memory_space<vmem_shared>> -> memref<640x64xf32, #tpu.memory_space<vmem_shared>>
      %dma_wait3A_34 = arith.constant 0 : i32
      %dma_wait3A_35 = tpu.memref_slice %arg5[%mul3A_2, %dma_wait3A_34] : memref<10240x64xf32, #tpu.memory_space<hbm>> -> memref<640x64xf32, #tpu.memory_space<hbm>>
      tpu.wait_dma2 semaphore(%run_scoped3A_27 : memref<!tpu.dma_semaphore, #tpu.memory_space<semaphore_mem>>) src(%dma_wait3A_35 : memref<640x64xf32, #tpu.memory_space<hbm>>) dst(%dma_wait3A_33 : memref<640x64xf32, #tpu.memory_space<vmem_shared>>)
      tpu.yield
    }) : () -> ()
    "tpu.region"() ({
      %run_scoped3A_27 = tpu.sem_alloc : memref<!tpu.dma_semaphore, #tpu.memory_space<semaphore_mem>>
      %dma_start3A_28 = arith.constant 0 : i32
      %dma_start3A_29 = arith.constant 0 : i32
      %dma_start3A_30 = tpu.memref_slice %arg3[%add3A, %dma_start3A_28, %dma_start3A_29] : memref<32x79x128xi32, #tpu.memory_space<hbm>> -> memref<1x79x128xi32, #tpu.memory_space<hbm>>
      %dma_start3A_31 = tpu.memref_squeeze %dma_start3A_30 : memref<1x79x128xi32, #tpu.memory_space<hbm>> -> memref<79x128xi32, #tpu.memory_space<hbm>>
      %dma_start3A_32 = arith.constant 0 : i32
      %dma_start3A_33 = arith.constant 0 : i32
      %dma_start3A_34 = tpu.memref_slice %arg3[%add3A, %dma_start3A_32, %dma_start3A_33] : memref<32x79x128xi32, #tpu.memory_space<hbm>> -> memref<1x79x128xi32, #tpu.memory_space<hbm>>
      %dma_start3A_35 = tpu.memref_squeeze %dma_start3A_34 : memref<1x79x128xi32, #tpu.memory_space<hbm>> -> memref<79x128xi32, #tpu.memory_space<hbm>>
      tpu.enqueue_dma source(%dma_start3A_35 : memref<79x128xi32, #tpu.memory_space<hbm>>) target(%arg7 : memref<79x128xi32, #tpu.memory_space<vmem>>) target_semaphore(%run_scoped3A_27 : memref<!tpu.dma_semaphore, #tpu.memory_space<semaphore_mem>>)
      %dma_wait3A_36 = arith.constant 0 : i32
      %dma_wait3A_37 = arith.constant 0 : i32
      %dma_wait3A_38 = tpu.memref_slice %arg3[%add3A, %dma_wait3A_36, %dma_wait3A_37] : memref<32x79x128xi32, #tpu.memory_space<hbm>> -> memref<1x79x128xi32, #tpu.memory_space<hbm>>
      %dma_wait3A_39 = tpu.memref_squeeze %dma_wait3A_38 : memref<1x79x128xi32, #tpu.memory_space<hbm>> -> memref<79x128xi32, #tpu.memory_space<hbm>>
      %dma_wait3A_40 = arith.constant 0 : i32
      %dma_wait3A_41 = arith.constant 0 : i32
      %dma_wait3A_42 = tpu.memref_slice %arg3[%add3A, %dma_wait3A_40, %dma_wait3A_41] : memref<32x79x128xi32, #tpu.memory_space<hbm>> -> memref<1x79x128xi32, #tpu.memory_space<hbm>>
      %dma_wait3A_43 = tpu.memref_squeeze %dma_wait3A_42 : memref<1x79x128xi32, #tpu.memory_space<hbm>> -> memref<79x128xi32, #tpu.memory_space<hbm>>
      tpu.wait_dma2 semaphore(%run_scoped3A_27 : memref<!tpu.dma_semaphore, #tpu.memory_space<semaphore_mem>>) src(%dma_wait3A_43 : memref<79x128xi32, #tpu.memory_space<hbm>>) dst(%arg7 : memref<79x128xi32, #tpu.memory_space<vmem>>)
      tpu.yield
    }) : () -> ()
    "tpu.region"() ({
      %run_scoped3A_27 = tpu.sem_alloc : memref<!tpu.dma_semaphore, #tpu.memory_space<semaphore_mem>>
      %dma_start3A_28 = arith.constant 0 : i32
      %dma_start3A_29 = arith.constant 0 : i32
      %dma_start3A_30 = tpu.memref_slice %arg4[%add3A, %dma_start3A_28, %dma_start3A_29] : memref<32x79x128xi32, #tpu.memory_space<hbm>> -> memref<1x79x128xi32, #tpu.memory_space<hbm>>
      %dma_start3A_31 = tpu.memref_squeeze %dma_start3A_30 : memref<1x79x128xi32, #tpu.memory_space<hbm>> -> memref<79x128xi32, #tpu.memory_space<hbm>>
      %dma_start3A_32 = arith.constant 0 : i32
      %dma_start3A_33 = arith.constant 0 : i32
      %dma_start3A_34 = tpu.memref_slice %arg4[%add3A, %dma_start3A_32, %dma_start3A_33] : memref<32x79x128xi32, #tpu.memory_space<hbm>> -> memref<1x79x128xi32, #tpu.memory_space<hbm>>
      %dma_start3A_35 = tpu.memref_squeeze %dma_start3A_34 : memref<1x79x128xi32, #tpu.memory_space<hbm>> -> memref<79x128xi32, #tpu.memory_space<hbm>>
      tpu.enqueue_dma source(%dma_start3A_35 : memref<79x128xi32, #tpu.memory_space<hbm>>) target(%arg8 : memref<79x128xi32, #tpu.memory_space<vmem>>) target_semaphore(%run_scoped3A_27 : memref<!tpu.dma_semaphore, #tpu.memory_space<semaphore_mem>>)
      %dma_wait3A_36 = arith.constant 0 : i32
      %dma_wait3A_37 = arith.constant 0 : i32
      %dma_wait3A_38 = tpu.memref_slice %arg4[%add3A, %dma_wait3A_36, %dma_wait3A_37] : memref<32x79x128xi32, #tpu.memory_space<hbm>> -> memref<1x79x128xi32, #tpu.memory_space<hbm>>
      %dma_wait3A_39 = tpu.memref_squeeze %dma_wait3A_38 : memref<1x79x128xi32, #tpu.memory_space<hbm>> -> memref<79x128xi32, #tpu.memory_space<hbm>>
      %dma_wait3A_40 = arith.constant 0 : i32
      %dma_wait3A_41 = arith.constant 0 : i32
      %dma_wait3A_42 = tpu.memref_slice %arg4[%add3A, %dma_wait3A_40, %dma_wait3A_41] : memref<32x79x128xi32, #tpu.memory_space<hbm>> -> memref<1x79x128xi32, #tpu.memory_space<hbm>>
      %dma_wait3A_43 = tpu.memref_squeeze %dma_wait3A_42 : memref<1x79x128xi32, #tpu.memory_space<hbm>> -> memref<79x128xi32, #tpu.memory_space<hbm>>
      tpu.wait_dma2 semaphore(%run_scoped3A_27 : memref<!tpu.dma_semaphore, #tpu.memory_space<semaphore_mem>>) src(%dma_wait3A_43 : memref<79x128xi32, #tpu.memory_space<hbm>>) dst(%arg8 : memref<79x128xi32, #tpu.memory_space<vmem>>)
      tpu.yield
    }) : () -> ()
    %barrier3A = arith.constant 0 : index
    tpu.barrier barrier_id(%barrier3A)
    %dma_start3A = arith.constant 0 : i32
    %dma_start3A_5 = arith.constant 0 : i32
    %dma_start3A_6 = tpu.memref_slice %arg7[%dma_start3A, %dma_start3A_5] : memref<79x128xi32, #tpu.memory_space<vmem>> -> memref<1x128xi32, #tpu.memory_space<vmem>>
    %dma_start3A_7 = tpu.memref_squeeze %dma_start3A_6 : memref<1x128xi32, #tpu.memory_space<vmem>> -> memref<128xi32, #tpu.memory_space<vmem>>
    %dma_start3A_8 = arith.constant 0 : i32
    %dma_start3A_9 = arith.constant 0 : i32
    %dma_start3A_10 = tpu.memref_slice %arg2[%dma_start3A_8, %dma_start3A_9] : memref<10240x64xf32, #tpu.memory_space<hbm>> -> memref<10240x64xf32, #tpu.memory_space<hbm>>
    tpu.enqueue_indirect_dma source(%dma_start3A_10 : memref<10240x64xf32, #tpu.memory_space<hbm>>) target(%arg9 : memref<128x64xf32, #tpu.memory_space<vmem>>) offsets(%dma_start3A_7 : memref<128xi32, #tpu.memory_space<vmem>>) semaphore(%arg12 : memref<!tpu.dma_semaphore, #tpu.memory_space<semaphore_mem>>)
    %scan3A = arith.constant 0 : i32
    %scan3A_11 = arith.constant 0 : i32
    %scan3A_12 = arith.constant 39 : i32
    %scan3A_13 = arith.addi %scan3A_11, %scan3A_12 : i32
    %scan3A_14 = arith.constant 1 : i32
    scf.for %scan3A_27 = %scan3A_11 to %scan3A_13 step %scan3A_14  : i32 {
      %mul3A_28 = arith.constant 2 : i32
      %mul3A_29 = arith.muli %mul3A_28, %scan3A_27 : i32
      %add3A_30 = arith.constant 1 : i32
      %add3A_31 = arith.addi %mul3A_29, %add3A_30 : i32
      %dma_start3A_32 = arith.constant 0 : i32
      %dma_start3A_33 = tpu.memref_slice %arg7[%add3A_31, %dma_start3A_32] : memref<79x128xi32, #tpu.memory_space<vmem>> -> memref<1x128xi32, #tpu.memory_space<vmem>>
      %dma_start3A_34 = tpu.memref_squeeze %dma_start3A_33 : memref<1x128xi32, #tpu.memory_space<vmem>> -> memref<128xi32, #tpu.memory_space<vmem>>
      %dma_start3A_35 = arith.constant 0 : i32
      %dma_start3A_36 = arith.constant 0 : i32
      %dma_start3A_37 = tpu.memref_slice %arg2[%dma_start3A_35, %dma_start3A_36] : memref<10240x64xf32, #tpu.memory_space<hbm>> -> memref<10240x64xf32, #tpu.memory_space<hbm>>
      tpu.enqueue_indirect_dma source(%dma_start3A_37 : memref<10240x64xf32, #tpu.memory_space<hbm>>) target(%arg10 : memref<128x64xf32, #tpu.memory_space<vmem>>) offsets(%dma_start3A_34 : memref<128xi32, #tpu.memory_space<vmem>>) semaphore(%arg13 : memref<!tpu.dma_semaphore, #tpu.memory_space<semaphore_mem>>)
      %dma_wait3A_38 = arith.constant 0 : i32
      %dma_wait3A_39 = tpu.memref_slice %arg7[%mul3A_29, %dma_wait3A_38] : memref<79x128xi32, #tpu.memory_space<vmem>> -> memref<1x128xi32, #tpu.memory_space<vmem>>
      %dma_wait3A_40 = tpu.memref_squeeze %dma_wait3A_39 : memref<1x128xi32, #tpu.memory_space<vmem>> -> memref<128xi32, #tpu.memory_space<vmem>>
      %dma_wait3A_41 = arith.constant 0 : i32
      %dma_wait3A_42 = arith.constant 0 : i32
      %dma_wait3A_43 = tpu.memref_slice %arg2[%dma_wait3A_41, %dma_wait3A_42] : memref<10240x64xf32, #tpu.memory_space<hbm>> -> memref<10240x64xf32, #tpu.memory_space<hbm>>
      tpu.wait_indirect_dma semaphore(%arg12 : memref<!tpu.dma_semaphore, #tpu.memory_space<semaphore_mem>>) src(%dma_wait3A_43 : memref<10240x64xf32, #tpu.memory_space<hbm>>) dst(%arg9 : memref<128x64xf32, #tpu.memory_space<vmem>>)
      "tpu.region"() ({
        %run_scoped3A_62 = tpu.sem_alloc : memref<!tpu.dma_semaphore, #tpu.memory_space<semaphore_mem>>
        %dma_start3A_63 = arith.constant 0 : i32
        %dma_start3A_64 = tpu.memref_slice %arg8[%mul3A_29, %dma_start3A_63] : memref<79x128xi32, #tpu.memory_space<vmem>> -> memref<1x128xi32, #tpu.memory_space<vmem>>
        %dma_start3A_65 = tpu.memref_squeeze %dma_start3A_64 : memref<1x128xi32, #tpu.memory_space<vmem>> -> memref<128xi32, #tpu.memory_space<vmem>>
        %dma_start3A_66 = arith.constant 0 : i32
        %dma_start3A_67 = arith.constant 0 : i32
        %dma_start3A_68 = tpu.memref_slice %arg11[%dma_start3A_66, %dma_start3A_67] : memref<10240x64xf32, #tpu.memory_space<vmem_shared>> -> memref<10240x64xf32, #tpu.memory_space<vmem_shared>>
        tpu.enqueue_indirect_dma source(%arg9 : memref<128x64xf32, #tpu.memory_space<vmem>>) target(%dma_start3A_68 : memref<10240x64xf32, #tpu.memory_space<vmem_shared>>) offsets(%dma_start3A_65 : memref<128xi32, #tpu.memory_space<vmem>>) semaphore(%run_scoped3A_62 : memref<!tpu.dma_semaphore, #tpu.memory_space<semaphore_mem>>) {add = true}
        %dma_wait3A_69 = arith.constant 0 : i32
        %dma_wait3A_70 = tpu.memref_slice %arg8[%mul3A_29, %dma_wait3A_69] : memref<79x128xi32, #tpu.memory_space<vmem>> -> memref<1x128xi32, #tpu.memory_space<vmem>>
        %dma_wait3A_71 = tpu.memref_squeeze %dma_wait3A_70 : memref<1x128xi32, #tpu.memory_space<vmem>> -> memref<128xi32, #tpu.memory_space<vmem>>
        %dma_wait3A_72 = arith.constant 0 : i32
        %dma_wait3A_73 = arith.constant 0 : i32
        %dma_wait3A_74 = tpu.memref_slice %arg11[%dma_wait3A_72, %dma_wait3A_73] : memref<10240x64xf32, #tpu.memory_space<vmem_shared>> -> memref<10240x64xf32, #tpu.memory_space<vmem_shared>>
        tpu.wait_indirect_dma semaphore(%run_scoped3A_62 : memref<!tpu.dma_semaphore, #tpu.memory_space<semaphore_mem>>) src(%arg9 : memref<128x64xf32, #tpu.memory_space<vmem>>) dst(%dma_wait3A_74 : memref<10240x64xf32, #tpu.memory_space<vmem_shared>>)
        tpu.yield
      }) : () -> ()
      %add3A_44 = arith.constant 2 : i32
      %add3A_45 = arith.addi %mul3A_29, %add3A_44 : i32
      %dma_start3A_46 = arith.constant 0 : i32
      %dma_start3A_47 = tpu.memref_slice %arg7[%add3A_45, %dma_start3A_46] : memref<79x128xi32, #tpu.memory_space<vmem>> -> memref<1x128xi32, #tpu.memory_space<vmem>>
      %dma_start3A_48 = tpu.memref_squeeze %dma_start3A_47 : memref<1x128xi32, #tpu.memory_space<vmem>> -> memref<128xi32, #tpu.memory_space<vmem>>
      %dma_start3A_49 = arith.constant 0 : i32
      %dma_start3A_50 = arith.constant 0 : i32
      %dma_start3A_51 = tpu.memref_slice %arg2[%dma_start3A_49, %dma_start3A_50] : memref<10240x64xf32, #tpu.memory_space<hbm>> -> memref<10240x64xf32, #tpu.memory_space<hbm>>
      tpu.enqueue_indirect_dma source(%dma_start3A_51 : memref<10240x64xf32, #tpu.memory_space<hbm>>) target(%arg9 : memref<128x64xf32, #tpu.memory_space<vmem>>) offsets(%dma_start3A_48 : memref<128xi32, #tpu.memory_space<vmem>>) semaphore(%arg12 : memref<!tpu.dma_semaphore, #tpu.memory_space<semaphore_mem>>)
      %add3A_52 = arith.constant 1 : i32
      %add3A_53 = arith.addi %mul3A_29, %add3A_52 : i32
      %dma_wait3A_54 = arith.constant 0 : i32
      %dma_wait3A_55 = tpu.memref_slice %arg7[%add3A_53, %dma_wait3A_54] : memref<79x128xi32, #tpu.memory_space<vmem>> -> memref<1x128xi32, #tpu.memory_space<vmem>>
      %dma_wait3A_56 = tpu.memref_squeeze %dma_wait3A_55 : memref<1x128xi32, #tpu.memory_space<vmem>> -> memref<128xi32, #tpu.memory_space<vmem>>
      %dma_wait3A_57 = arith.constant 0 : i32
      %dma_wait3A_58 = arith.constant 0 : i32
      %dma_wait3A_59 = tpu.memref_slice %arg2[%dma_wait3A_57, %dma_wait3A_58] : memref<10240x64xf32, #tpu.memory_space<hbm>> -> memref<10240x64xf32, #tpu.memory_space<hbm>>
      tpu.wait_indirect_dma semaphore(%arg13 : memref<!tpu.dma_semaphore, #tpu.memory_space<semaphore_mem>>) src(%dma_wait3A_59 : memref<10240x64xf32, #tpu.memory_space<hbm>>) dst(%arg10 : memref<128x64xf32, #tpu.memory_space<vmem>>)
      %add3A_60 = arith.constant 1 : i32
      %add3A_61 = arith.addi %mul3A_29, %add3A_60 : i32
      "tpu.region"() ({
        %run_scoped3A_62 = tpu.sem_alloc : memref<!tpu.dma_semaphore, #tpu.memory_space<semaphore_mem>>
        %dma_start3A_63 = arith.constant 0 : i32
        %dma_start3A_64 = tpu.memref_slice %arg8[%add3A_61, %dma_start3A_63] : memref<79x128xi32, #tpu.memory_space<vmem>> -> memref<1x128xi32, #tpu.memory_space<vmem>>
        %dma_start3A_65 = tpu.memref_squeeze %dma_start3A_64 : memref<1x128xi32, #tpu.memory_space<vmem>> -> memref<128xi32, #tpu.memory_space<vmem>>
        %dma_start3A_66 = arith.constant 0 : i32
        %dma_start3A_67 = arith.constant 0 : i32
        %dma_start3A_68 = tpu.memref_slice %arg11[%dma_start3A_66, %dma_start3A_67] : memref<10240x64xf32, #tpu.memory_space<vmem_shared>> -> memref<10240x64xf32, #tpu.memory_space<vmem_shared>>
        tpu.enqueue_indirect_dma source(%arg10 : memref<128x64xf32, #tpu.memory_space<vmem>>) target(%dma_start3A_68 : memref<10240x64xf32, #tpu.memory_space<vmem_shared>>) offsets(%dma_start3A_65 : memref<128xi32, #tpu.memory_space<vmem>>) semaphore(%run_scoped3A_62 : memref<!tpu.dma_semaphore, #tpu.memory_space<semaphore_mem>>) {add = true}
        %dma_wait3A_69 = arith.constant 0 : i32
        %dma_wait3A_70 = tpu.memref_slice %arg8[%add3A_61, %dma_wait3A_69] : memref<79x128xi32, #tpu.memory_space<vmem>> -> memref<1x128xi32, #tpu.memory_space<vmem>>
        %dma_wait3A_71 = tpu.memref_squeeze %dma_wait3A_70 : memref<1x128xi32, #tpu.memory_space<vmem>> -> memref<128xi32, #tpu.memory_space<vmem>>
        %dma_wait3A_72 = arith.constant 0 : i32
        %dma_wait3A_73 = arith.constant 0 : i32
        %dma_wait3A_74 = tpu.memref_slice %arg11[%dma_wait3A_72, %dma_wait3A_73] : memref<10240x64xf32, #tpu.memory_space<vmem_shared>> -> memref<10240x64xf32, #tpu.memory_space<vmem_shared>>
        tpu.wait_indirect_dma semaphore(%run_scoped3A_62 : memref<!tpu.dma_semaphore, #tpu.memory_space<semaphore_mem>>) src(%arg10 : memref<128x64xf32, #tpu.memory_space<vmem>>) dst(%dma_wait3A_74 : memref<10240x64xf32, #tpu.memory_space<vmem_shared>>)
        tpu.yield
      }) : () -> ()
    }
    %scan3A_15 = arith.constant 39 : i32
    %dma_wait3A = arith.constant 78 : i32
    %dma_wait3A_16 = arith.constant 0 : i32
    %dma_wait3A_17 = tpu.memref_slice %arg7[%dma_wait3A, %dma_wait3A_16] : memref<79x128xi32, #tpu.memory_space<vmem>> -> memref<1x128xi32, #tpu.memory_space<vmem>>
    %dma_wait3A_18 = tpu.memref_squeeze %dma_wait3A_17 : memref<1x128xi32, #tpu.memory_space<vmem>> -> memref<128xi32, #tpu.memory_space<vmem>>
    %dma_wait3A_19 = arith.constant 0 : i32
    %dma_wait3A_20 = arith.constant 0 : i32
    %dma_wait3A_21 = tpu.memref_slice %arg2[%dma_wait3A_19, %dma_wait3A_20] : memref<10240x64xf32, #tpu.memory_space<hbm>> -> memref<10240x64xf32, #tpu.memory_space<hbm>>
    tpu.wait_indirect_dma semaphore(%arg12 : memref<!tpu.dma_semaphore, #tpu.memory_space<semaphore_mem>>) src(%dma_wait3A_21 : memref<10240x64xf32, #tpu.memory_space<hbm>>) dst(%arg9 : memref<128x64xf32, #tpu.memory_space<vmem>>)
    %run_scoped3A = arith.constant 78 : i32
    "tpu.region"() ({
      %run_scoped3A_27 = tpu.sem_alloc : memref<!tpu.dma_semaphore, #tpu.memory_space<semaphore_mem>>
      %dma_start3A_28 = arith.constant 0 : i32
      %dma_start3A_29 = tpu.memref_slice %arg8[%run_scoped3A, %dma_start3A_28] : memref<79x128xi32, #tpu.memory_space<vmem>> -> memref<1x128xi32, #tpu.memory_space<vmem>>
      %dma_start3A_30 = tpu.memref_squeeze %dma_start3A_29 : memref<1x128xi32, #tpu.memory_space<vmem>> -> memref<128xi32, #tpu.memory_space<vmem>>
      %dma_start3A_31 = arith.constant 0 : i32
      %dma_start3A_32 = arith.constant 0 : i32
      %dma_start3A_33 = tpu.memref_slice %arg11[%dma_start3A_31, %dma_start3A_32] : memref<10240x64xf32, #tpu.memory_space<vmem_shared>> -> memref<10240x64xf32, #tpu.memory_space<vmem_shared>>
      tpu.enqueue_indirect_dma source(%arg9 : memref<128x64xf32, #tpu.memory_space<vmem>>) target(%dma_start3A_33 : memref<10240x64xf32, #tpu.memory_space<vmem_shared>>) offsets(%dma_start3A_30 : memref<128xi32, #tpu.memory_space<vmem>>) semaphore(%run_scoped3A_27 : memref<!tpu.dma_semaphore, #tpu.memory_space<semaphore_mem>>) {add = true}
      %dma_wait3A_34 = arith.constant 0 : i32
      %dma_wait3A_35 = tpu.memref_slice %arg8[%run_scoped3A, %dma_wait3A_34] : memref<79x128xi32, #tpu.memory_space<vmem>> -> memref<1x128xi32, #tpu.memory_space<vmem>>
      %dma_wait3A_36 = tpu.memref_squeeze %dma_wait3A_35 : memref<1x128xi32, #tpu.memory_space<vmem>> -> memref<128xi32, #tpu.memory_space<vmem>>
      %dma_wait3A_37 = arith.constant 0 : i32
      %dma_wait3A_38 = arith.constant 0 : i32
      %dma_wait3A_39 = tpu.memref_slice %arg11[%dma_wait3A_37, %dma_wait3A_38] : memref<10240x64xf32, #tpu.memory_space<vmem_shared>> -> memref<10240x64xf32, #tpu.memory_space<vmem_shared>>
      tpu.wait_indirect_dma semaphore(%run_scoped3A_27 : memref<!tpu.dma_semaphore, #tpu.memory_space<semaphore_mem>>) src(%arg9 : memref<128x64xf32, #tpu.memory_space<vmem>>) dst(%dma_wait3A_39 : memref<10240x64xf32, #tpu.memory_space<vmem_shared>>)
      tpu.yield
    }) : () -> ()
    %barrier3A_22 = arith.constant 0 : index
    tpu.barrier barrier_id(%barrier3A_22)
    %mul3A_23 = arith.constant 640 : i32
    %mul3A_24 = arith.muli %arg1, %mul3A_23 : i32
    %mul3A_25 = arith.constant 640 : i32
    %mul3A_26 = arith.muli %arg1, %mul3A_25 : i32
    "tpu.region"() ({
      %run_scoped3A_27 = tpu.sem_alloc : memref<!tpu.dma_semaphore, #tpu.memory_space<semaphore_mem>>
      %dma_start3A_28 = arith.constant 0 : i32
      %dma_start3A_29 = tpu.memref_slice %arg6[%arg0, %mul3A_26, %dma_start3A_28] : memref<2x10240x64xf32, #tpu.memory_space<hbm>> -> memref<1x640x64xf32, #tpu.memory_space<hbm>>
      %dma_start3A_30 = tpu.memref_squeeze %dma_start3A_29 : memref<1x640x64xf32, #tpu.memory_space<hbm>> -> memref<640x64xf32, #tpu.memory_space<hbm>>
      %dma_start3A_31 = arith.constant 0 : i32
      %dma_start3A_32 = tpu.memref_slice %arg11[%mul3A_24, %dma_start3A_31] : memref<10240x64xf32, #tpu.memory_space<vmem_shared>> -> memref<640x64xf32, #tpu.memory_space<vmem_shared>>
      tpu.enqueue_dma source(%dma_start3A_32 : memref<640x64xf32, #tpu.memory_space<vmem_shared>>) target(%dma_start3A_30 : memref<640x64xf32, #tpu.memory_space<hbm>>) target_semaphore(%run_scoped3A_27 : memref<!tpu.dma_semaphore, #tpu.memory_space<semaphore_mem>>)
      %dma_wait3A_33 = arith.constant 0 : i32
      %dma_wait3A_34 = tpu.memref_slice %arg6[%arg0, %mul3A_26, %dma_wait3A_33] : memref<2x10240x64xf32, #tpu.memory_space<hbm>> -> memref<1x640x64xf32, #tpu.memory_space<hbm>>
      %dma_wait3A_35 = tpu.memref_squeeze %dma_wait3A_34 : memref<1x640x64xf32, #tpu.memory_space<hbm>> -> memref<640x64xf32, #tpu.memory_space<hbm>>
      %dma_wait3A_36 = arith.constant 0 : i32
      %dma_wait3A_37 = tpu.memref_slice %arg11[%mul3A_24, %dma_wait3A_36] : memref<10240x64xf32, #tpu.memory_space<vmem_shared>> -> memref<640x64xf32, #tpu.memory_space<vmem_shared>>
      tpu.wait_dma2 semaphore(%run_scoped3A_27 : memref<!tpu.dma_semaphore, #tpu.memory_space<semaphore_mem>>) src(%dma_wait3A_37 : memref<640x64xf32, #tpu.memory_space<vmem_shared>>) dst(%dma_wait3A_35 : memref<640x64xf32, #tpu.memory_space<hbm>>)
      tpu.yield
    }) : () -> ()
    return
  }
}

#map = affine_map<(d0, d1) -> (0, 0)>
#map1 = affine_map<(d0, d1) -> (0, 0, 0)>
module attributes {stable_mosaic.version = 14 : i64} {
  func.func @_sc_segsum(%arg0: i32, %arg1: i32, %arg2: memref<10240x64xf32, #tpu.memory_space<hbm>>, %arg3: memref<32x79x128xi32, #tpu.memory_space<hbm>>, %arg4: memref<32x79x128xi32, #tpu.memory_space<hbm>>, %arg5: memref<10240x64xf32, #tpu.memory_space<hbm>>, %arg6: memref<2x10240x64xf32, #tpu.memory_space<hbm>>, %arg7: memref<79x128xi32, #tpu.memory_space<vmem>>, %arg8: memref<79x128xi32, #tpu.memory_space<vmem>>, %arg9: memref<128x64xf32, #tpu.memory_space<vmem>>, %arg10: memref<128x64xf32, #tpu.memory_space<vmem>>, %arg11: memref<10240x64xf32, #tpu.memory_space<vmem_shared>>, %arg12: memref<!tpu.dma_semaphore, #tpu.memory_space<semaphore_mem>>, %arg13: memref<!tpu.dma_semaphore, #tpu.memory_space<semaphore_mem>>) attributes {dimension_semantics = [#tpu.dimension_semantics<core_parallel>, #tpu.dimension_semantics<subcore_parallel>], iteration_bounds = array<i64: 2, 16>, scalar_prefetch = 0 : i64, scratch_operands = 7 : i64, tpu.core_type = #tpu.core_type<sc_vector_subcore>, window_params = [{transform_indices = #map}, {transform_indices = #map1}, {transform_indices = #map1}, {transform_indices = #map}, {transform_indices = #map1}]} {
    %mul3A = arith.constant 16 : i32
    %mul3A_0 = arith.muli %arg0, %mul3A : i32
    %add3A = arith.addi %mul3A_0, %arg1 : i32
    %mul3A_1 = arith.constant 640 : i32
    %mul3A_2 = arith.muli %arg1, %mul3A_1 : i32
    %mul3A_3 = arith.constant 640 : i32
    %mul3A_4 = arith.muli %arg1, %mul3A_3 : i32
    "tpu.region"() ({
      %run_scoped3A_27 = tpu.sem_alloc : memref<!tpu.dma_semaphore, #tpu.memory_space<semaphore_mem>>
      %dma_start3A_28 = arith.constant 0 : i32
      %dma_start3A_29 = tpu.memref_slice %arg11[%mul3A_4, %dma_start3A_28] : memref<10240x64xf32, #tpu.memory_space<vmem_shared>> -> memref<640x64xf32, #tpu.memory_space<vmem_shared>>
      %dma_start3A_30 = arith.constant 0 : i32
      %dma_start3A_31 = tpu.memref_slice %arg5[%mul3A_2, %dma_start3A_30] : memref<10240x64xf32, #tpu.memory_space<hbm>> -> memref<640x64xf32, #tpu.memory_space<hbm>>
      tpu.enqueue_dma source(%dma_start3A_31 : memref<640x64xf32, #tpu.memory_space<hbm>>) target(%dma_start3A_29 : memref<640x64xf32, #tpu.memory_space<vmem_shared>>) target_semaphore(%run_scoped3A_27 : memref<!tpu.dma_semaphore, #tpu.memory_space<semaphore_mem>>)
      %dma_wait3A_32 = arith.constant 0 : i32
      %dma_wait3A_33 = tpu.memref_slice %arg11[%mul3A_4, %dma_wait3A_32] : memref<10240x64xf32, #tpu.memory_space<vmem_shared>> -> memref<640x64xf32, #tpu.memory_space<vmem_shared>>
      %dma_wait3A_34 = arith.constant 0 : i32
      %dma_wait3A_35 = tpu.memref_slice %arg5[%mul3A_2, %dma_wait3A_34] : memref<10240x64xf32, #tpu.memory_space<hbm>> -> memref<640x64xf32, #tpu.memory_space<hbm>>
      tpu.wait_dma2 semaphore(%run_scoped3A_27 : memref<!tpu.dma_semaphore, #tpu.memory_space<semaphore_mem>>) src(%dma_wait3A_35 : memref<640x64xf32, #tpu.memory_space<hbm>>) dst(%dma_wait3A_33 : memref<640x64xf32, #tpu.memory_space<vmem_shared>>)
      tpu.yield
    }) : () -> ()
    "tpu.region"() ({
      %run_scoped3A_27 = tpu.sem_alloc : memref<!tpu.dma_semaphore, #tpu.memory_space<semaphore_mem>>
      %dma_start3A_28 = arith.constant 0 : i32
      %dma_start3A_29 = arith.constant 0 : i32
      %dma_start3A_30 = tpu.memref_slice %arg3[%add3A, %dma_start3A_28, %dma_start3A_29] : memref<32x79x128xi32, #tpu.memory_space<hbm>> -> memref<1x79x128xi32, #tpu.memory_space<hbm>>
      %dma_start3A_31 = tpu.memref_squeeze %dma_start3A_30 : memref<1x79x128xi32, #tpu.memory_space<hbm>> -> memref<79x128xi32, #tpu.memory_space<hbm>>
      %dma_start3A_32 = arith.constant 0 : i32
      %dma_start3A_33 = arith.constant 0 : i32
      %dma_start3A_34 = tpu.memref_slice %arg3[%add3A, %dma_start3A_32, %dma_start3A_33] : memref<32x79x128xi32, #tpu.memory_space<hbm>> -> memref<1x79x128xi32, #tpu.memory_space<hbm>>
      %dma_start3A_35 = tpu.memref_squeeze %dma_start3A_34 : memref<1x79x128xi32, #tpu.memory_space<hbm>> -> memref<79x128xi32, #tpu.memory_space<hbm>>
      tpu.enqueue_dma source(%dma_start3A_35 : memref<79x128xi32, #tpu.memory_space<hbm>>) target(%arg7 : memref<79x128xi32, #tpu.memory_space<vmem>>) target_semaphore(%run_scoped3A_27 : memref<!tpu.dma_semaphore, #tpu.memory_space<semaphore_mem>>)
      %dma_wait3A_36 = arith.constant 0 : i32
      %dma_wait3A_37 = arith.constant 0 : i32
      %dma_wait3A_38 = tpu.memref_slice %arg3[%add3A, %dma_wait3A_36, %dma_wait3A_37] : memref<32x79x128xi32, #tpu.memory_space<hbm>> -> memref<1x79x128xi32, #tpu.memory_space<hbm>>
      %dma_wait3A_39 = tpu.memref_squeeze %dma_wait3A_38 : memref<1x79x128xi32, #tpu.memory_space<hbm>> -> memref<79x128xi32, #tpu.memory_space<hbm>>
      %dma_wait3A_40 = arith.constant 0 : i32
      %dma_wait3A_41 = arith.constant 0 : i32
      %dma_wait3A_42 = tpu.memref_slice %arg3[%add3A, %dma_wait3A_40, %dma_wait3A_41] : memref<32x79x128xi32, #tpu.memory_space<hbm>> -> memref<1x79x128xi32, #tpu.memory_space<hbm>>
      %dma_wait3A_43 = tpu.memref_squeeze %dma_wait3A_42 : memref<1x79x128xi32, #tpu.memory_space<hbm>> -> memref<79x128xi32, #tpu.memory_space<hbm>>
      tpu.wait_dma2 semaphore(%run_scoped3A_27 : memref<!tpu.dma_semaphore, #tpu.memory_space<semaphore_mem>>) src(%dma_wait3A_43 : memref<79x128xi32, #tpu.memory_space<hbm>>) dst(%arg7 : memref<79x128xi32, #tpu.memory_space<vmem>>)
      tpu.yield
    }) : () -> ()
    "tpu.region"() ({
      %run_scoped3A_27 = tpu.sem_alloc : memref<!tpu.dma_semaphore, #tpu.memory_space<semaphore_mem>>
      %dma_start3A_28 = arith.constant 0 : i32
      %dma_start3A_29 = arith.constant 0 : i32
      %dma_start3A_30 = tpu.memref_slice %arg4[%add3A, %dma_start3A_28, %dma_start3A_29] : memref<32x79x128xi32, #tpu.memory_space<hbm>> -> memref<1x79x128xi32, #tpu.memory_space<hbm>>
      %dma_start3A_31 = tpu.memref_squeeze %dma_start3A_30 : memref<1x79x128xi32, #tpu.memory_space<hbm>> -> memref<79x128xi32, #tpu.memory_space<hbm>>
      %dma_start3A_32 = arith.constant 0 : i32
      %dma_start3A_33 = arith.constant 0 : i32
      %dma_start3A_34 = tpu.memref_slice %arg4[%add3A, %dma_start3A_32, %dma_start3A_33] : memref<32x79x128xi32, #tpu.memory_space<hbm>> -> memref<1x79x128xi32, #tpu.memory_space<hbm>>
      %dma_start3A_35 = tpu.memref_squeeze %dma_start3A_34 : memref<1x79x128xi32, #tpu.memory_space<hbm>> -> memref<79x128xi32, #tpu.memory_space<hbm>>
      tpu.enqueue_dma source(%dma_start3A_35 : memref<79x128xi32, #tpu.memory_space<hbm>>) target(%arg8 : memref<79x128xi32, #tpu.memory_space<vmem>>) target_semaphore(%run_scoped3A_27 : memref<!tpu.dma_semaphore, #tpu.memory_space<semaphore_mem>>)
      %dma_wait3A_36 = arith.constant 0 : i32
      %dma_wait3A_37 = arith.constant 0 : i32
      %dma_wait3A_38 = tpu.memref_slice %arg4[%add3A, %dma_wait3A_36, %dma_wait3A_37] : memref<32x79x128xi32, #tpu.memory_space<hbm>> -> memref<1x79x128xi32, #tpu.memory_space<hbm>>
      %dma_wait3A_39 = tpu.memref_squeeze %dma_wait3A_38 : memref<1x79x128xi32, #tpu.memory_space<hbm>> -> memref<79x128xi32, #tpu.memory_space<hbm>>
      %dma_wait3A_40 = arith.constant 0 : i32
      %dma_wait3A_41 = arith.constant 0 : i32
      %dma_wait3A_42 = tpu.memref_slice %arg4[%add3A, %dma_wait3A_40, %dma_wait3A_41] : memref<32x79x128xi32, #tpu.memory_space<hbm>> -> memref<1x79x128xi32, #tpu.memory_space<hbm>>
      %dma_wait3A_43 = tpu.memref_squeeze %dma_wait3A_42 : memref<1x79x128xi32, #tpu.memory_space<hbm>> -> memref<79x128xi32, #tpu.memory_space<hbm>>
      tpu.wait_dma2 semaphore(%run_scoped3A_27 : memref<!tpu.dma_semaphore, #tpu.memory_space<semaphore_mem>>) src(%dma_wait3A_43 : memref<79x128xi32, #tpu.memory_space<hbm>>) dst(%arg8 : memref<79x128xi32, #tpu.memory_space<vmem>>)
      tpu.yield
    }) : () -> ()
    %barrier3A = arith.constant 0 : index
    tpu.barrier barrier_id(%barrier3A)
    %dma_start3A = arith.constant 0 : i32
    %dma_start3A_5 = arith.constant 0 : i32
    %dma_start3A_6 = tpu.memref_slice %arg7[%dma_start3A, %dma_start3A_5] : memref<79x128xi32, #tpu.memory_space<vmem>> -> memref<1x128xi32, #tpu.memory_space<vmem>>
    %dma_start3A_7 = tpu.memref_squeeze %dma_start3A_6 : memref<1x128xi32, #tpu.memory_space<vmem>> -> memref<128xi32, #tpu.memory_space<vmem>>
    %dma_start3A_8 = arith.constant 0 : i32
    %dma_start3A_9 = arith.constant 0 : i32
    %dma_start3A_10 = tpu.memref_slice %arg2[%dma_start3A_8, %dma_start3A_9] : memref<10240x64xf32, #tpu.memory_space<hbm>> -> memref<10240x64xf32, #tpu.memory_space<hbm>>
    tpu.enqueue_indirect_dma source(%dma_start3A_10 : memref<10240x64xf32, #tpu.memory_space<hbm>>) target(%arg9 : memref<128x64xf32, #tpu.memory_space<vmem>>) offsets(%dma_start3A_7 : memref<128xi32, #tpu.memory_space<vmem>>) semaphore(%arg12 : memref<!tpu.dma_semaphore, #tpu.memory_space<semaphore_mem>>)
    %scan3A = arith.constant 0 : i32
    %scan3A_11 = arith.constant 0 : i32
    %scan3A_12 = arith.constant 39 : i32
    %scan3A_13 = arith.addi %scan3A_11, %scan3A_12 : i32
    %scan3A_14 = arith.constant 1 : i32
    scf.for %scan3A_27 = %scan3A_11 to %scan3A_13 step %scan3A_14  : i32 {
      %mul3A_28 = arith.constant 2 : i32
      %mul3A_29 = arith.muli %mul3A_28, %scan3A_27 : i32
      %add3A_30 = arith.constant 1 : i32
      %add3A_31 = arith.addi %mul3A_29, %add3A_30 : i32
      %dma_start3A_32 = arith.constant 0 : i32
      %dma_start3A_33 = tpu.memref_slice %arg7[%add3A_31, %dma_start3A_32] : memref<79x128xi32, #tpu.memory_space<vmem>> -> memref<1x128xi32, #tpu.memory_space<vmem>>
      %dma_start3A_34 = tpu.memref_squeeze %dma_start3A_33 : memref<1x128xi32, #tpu.memory_space<vmem>> -> memref<128xi32, #tpu.memory_space<vmem>>
      %dma_start3A_35 = arith.constant 0 : i32
      %dma_start3A_36 = arith.constant 0 : i32
      %dma_start3A_37 = tpu.memref_slice %arg2[%dma_start3A_35, %dma_start3A_36] : memref<10240x64xf32, #tpu.memory_space<hbm>> -> memref<10240x64xf32, #tpu.memory_space<hbm>>
      tpu.enqueue_indirect_dma source(%dma_start3A_37 : memref<10240x64xf32, #tpu.memory_space<hbm>>) target(%arg10 : memref<128x64xf32, #tpu.memory_space<vmem>>) offsets(%dma_start3A_34 : memref<128xi32, #tpu.memory_space<vmem>>) semaphore(%arg13 : memref<!tpu.dma_semaphore, #tpu.memory_space<semaphore_mem>>)
      %dma_wait3A_38 = arith.constant 0 : i32
      %dma_wait3A_39 = tpu.memref_slice %arg7[%mul3A_29, %dma_wait3A_38] : memref<79x128xi32, #tpu.memory_space<vmem>> -> memref<1x128xi32, #tpu.memory_space<vmem>>
      %dma_wait3A_40 = tpu.memref_squeeze %dma_wait3A_39 : memref<1x128xi32, #tpu.memory_space<vmem>> -> memref<128xi32, #tpu.memory_space<vmem>>
      %dma_wait3A_41 = arith.constant 0 : i32
      %dma_wait3A_42 = arith.constant 0 : i32
      %dma_wait3A_43 = tpu.memref_slice %arg2[%dma_wait3A_41, %dma_wait3A_42] : memref<10240x64xf32, #tpu.memory_space<hbm>> -> memref<10240x64xf32, #tpu.memory_space<hbm>>
      tpu.wait_indirect_dma semaphore(%arg12 : memref<!tpu.dma_semaphore, #tpu.memory_space<semaphore_mem>>) src(%dma_wait3A_43 : memref<10240x64xf32, #tpu.memory_space<hbm>>) dst(%arg9 : memref<128x64xf32, #tpu.memory_space<vmem>>)
      "tpu.region"() ({
        %run_scoped3A_62 = tpu.sem_alloc : memref<!tpu.dma_semaphore, #tpu.memory_space<semaphore_mem>>
        %dma_start3A_63 = arith.constant 0 : i32
        %dma_start3A_64 = tpu.memref_slice %arg8[%mul3A_29, %dma_start3A_63] : memref<79x128xi32, #tpu.memory_space<vmem>> -> memref<1x128xi32, #tpu.memory_space<vmem>>
        %dma_start3A_65 = tpu.memref_squeeze %dma_start3A_64 : memref<1x128xi32, #tpu.memory_space<vmem>> -> memref<128xi32, #tpu.memory_space<vmem>>
        %dma_start3A_66 = arith.constant 0 : i32
        %dma_start3A_67 = arith.constant 0 : i32
        %dma_start3A_68 = tpu.memref_slice %arg11[%dma_start3A_66, %dma_start3A_67] : memref<10240x64xf32, #tpu.memory_space<vmem_shared>> -> memref<10240x64xf32, #tpu.memory_space<vmem_shared>>
        tpu.enqueue_indirect_dma source(%arg9 : memref<128x64xf32, #tpu.memory_space<vmem>>) target(%dma_start3A_68 : memref<10240x64xf32, #tpu.memory_space<vmem_shared>>) offsets(%dma_start3A_65 : memref<128xi32, #tpu.memory_space<vmem>>) semaphore(%run_scoped3A_62 : memref<!tpu.dma_semaphore, #tpu.memory_space<semaphore_mem>>) {add = true}
        %dma_wait3A_69 = arith.constant 0 : i32
        %dma_wait3A_70 = tpu.memref_slice %arg8[%mul3A_29, %dma_wait3A_69] : memref<79x128xi32, #tpu.memory_space<vmem>> -> memref<1x128xi32, #tpu.memory_space<vmem>>
        %dma_wait3A_71 = tpu.memref_squeeze %dma_wait3A_70 : memref<1x128xi32, #tpu.memory_space<vmem>> -> memref<128xi32, #tpu.memory_space<vmem>>
        %dma_wait3A_72 = arith.constant 0 : i32
        %dma_wait3A_73 = arith.constant 0 : i32
        %dma_wait3A_74 = tpu.memref_slice %arg11[%dma_wait3A_72, %dma_wait3A_73] : memref<10240x64xf32, #tpu.memory_space<vmem_shared>> -> memref<10240x64xf32, #tpu.memory_space<vmem_shared>>
        tpu.wait_indirect_dma semaphore(%run_scoped3A_62 : memref<!tpu.dma_semaphore, #tpu.memory_space<semaphore_mem>>) src(%arg9 : memref<128x64xf32, #tpu.memory_space<vmem>>) dst(%dma_wait3A_74 : memref<10240x64xf32, #tpu.memory_space<vmem_shared>>)
        tpu.yield
      }) : () -> ()
      %add3A_44 = arith.constant 2 : i32
      %add3A_45 = arith.addi %mul3A_29, %add3A_44 : i32
      %dma_start3A_46 = arith.constant 0 : i32
      %dma_start3A_47 = tpu.memref_slice %arg7[%add3A_45, %dma_start3A_46] : memref<79x128xi32, #tpu.memory_space<vmem>> -> memref<1x128xi32, #tpu.memory_space<vmem>>
      %dma_start3A_48 = tpu.memref_squeeze %dma_start3A_47 : memref<1x128xi32, #tpu.memory_space<vmem>> -> memref<128xi32, #tpu.memory_space<vmem>>
      %dma_start3A_49 = arith.constant 0 : i32
      %dma_start3A_50 = arith.constant 0 : i32
      %dma_start3A_51 = tpu.memref_slice %arg2[%dma_start3A_49, %dma_start3A_50] : memref<10240x64xf32, #tpu.memory_space<hbm>> -> memref<10240x64xf32, #tpu.memory_space<hbm>>
      tpu.enqueue_indirect_dma source(%dma_start3A_51 : memref<10240x64xf32, #tpu.memory_space<hbm>>) target(%arg9 : memref<128x64xf32, #tpu.memory_space<vmem>>) offsets(%dma_start3A_48 : memref<128xi32, #tpu.memory_space<vmem>>) semaphore(%arg12 : memref<!tpu.dma_semaphore, #tpu.memory_space<semaphore_mem>>)
      %add3A_52 = arith.constant 1 : i32
      %add3A_53 = arith.addi %mul3A_29, %add3A_52 : i32
      %dma_wait3A_54 = arith.constant 0 : i32
      %dma_wait3A_55 = tpu.memref_slice %arg7[%add3A_53, %dma_wait3A_54] : memref<79x128xi32, #tpu.memory_space<vmem>> -> memref<1x128xi32, #tpu.memory_space<vmem>>
      %dma_wait3A_56 = tpu.memref_squeeze %dma_wait3A_55 : memref<1x128xi32, #tpu.memory_space<vmem>> -> memref<128xi32, #tpu.memory_space<vmem>>
      %dma_wait3A_57 = arith.constant 0 : i32
      %dma_wait3A_58 = arith.constant 0 : i32
      %dma_wait3A_59 = tpu.memref_slice %arg2[%dma_wait3A_57, %dma_wait3A_58] : memref<10240x64xf32, #tpu.memory_space<hbm>> -> memref<10240x64xf32, #tpu.memory_space<hbm>>
      tpu.wait_indirect_dma semaphore(%arg13 : memref<!tpu.dma_semaphore, #tpu.memory_space<semaphore_mem>>) src(%dma_wait3A_59 : memref<10240x64xf32, #tpu.memory_space<hbm>>) dst(%arg10 : memref<128x64xf32, #tpu.memory_space<vmem>>)
      %add3A_60 = arith.constant 1 : i32
      %add3A_61 = arith.addi %mul3A_29, %add3A_60 : i32
      "tpu.region"() ({
        %run_scoped3A_62 = tpu.sem_alloc : memref<!tpu.dma_semaphore, #tpu.memory_space<semaphore_mem>>
        %dma_start3A_63 = arith.constant 0 : i32
        %dma_start3A_64 = tpu.memref_slice %arg8[%add3A_61, %dma_start3A_63] : memref<79x128xi32, #tpu.memory_space<vmem>> -> memref<1x128xi32, #tpu.memory_space<vmem>>
        %dma_start3A_65 = tpu.memref_squeeze %dma_start3A_64 : memref<1x128xi32, #tpu.memory_space<vmem>> -> memref<128xi32, #tpu.memory_space<vmem>>
        %dma_start3A_66 = arith.constant 0 : i32
        %dma_start3A_67 = arith.constant 0 : i32
        %dma_start3A_68 = tpu.memref_slice %arg11[%dma_start3A_66, %dma_start3A_67] : memref<10240x64xf32, #tpu.memory_space<vmem_shared>> -> memref<10240x64xf32, #tpu.memory_space<vmem_shared>>
        tpu.enqueue_indirect_dma source(%arg10 : memref<128x64xf32, #tpu.memory_space<vmem>>) target(%dma_start3A_68 : memref<10240x64xf32, #tpu.memory_space<vmem_shared>>) offsets(%dma_start3A_65 : memref<128xi32, #tpu.memory_space<vmem>>) semaphore(%run_scoped3A_62 : memref<!tpu.dma_semaphore, #tpu.memory_space<semaphore_mem>>) {add = true}
        %dma_wait3A_69 = arith.constant 0 : i32
        %dma_wait3A_70 = tpu.memref_slice %arg8[%add3A_61, %dma_wait3A_69] : memref<79x128xi32, #tpu.memory_space<vmem>> -> memref<1x128xi32, #tpu.memory_space<vmem>>
        %dma_wait3A_71 = tpu.memref_squeeze %dma_wait3A_70 : memref<1x128xi32, #tpu.memory_space<vmem>> -> memref<128xi32, #tpu.memory_space<vmem>>
        %dma_wait3A_72 = arith.constant 0 : i32
        %dma_wait3A_73 = arith.constant 0 : i32
        %dma_wait3A_74 = tpu.memref_slice %arg11[%dma_wait3A_72, %dma_wait3A_73] : memref<10240x64xf32, #tpu.memory_space<vmem_shared>> -> memref<10240x64xf32, #tpu.memory_space<vmem_shared>>
        tpu.wait_indirect_dma semaphore(%run_scoped3A_62 : memref<!tpu.dma_semaphore, #tpu.memory_space<semaphore_mem>>) src(%arg10 : memref<128x64xf32, #tpu.memory_space<vmem>>) dst(%dma_wait3A_74 : memref<10240x64xf32, #tpu.memory_space<vmem_shared>>)
        tpu.yield
      }) : () -> ()
    }
    %scan3A_15 = arith.constant 39 : i32
    %dma_wait3A = arith.constant 78 : i32
    %dma_wait3A_16 = arith.constant 0 : i32
    %dma_wait3A_17 = tpu.memref_slice %arg7[%dma_wait3A, %dma_wait3A_16] : memref<79x128xi32, #tpu.memory_space<vmem>> -> memref<1x128xi32, #tpu.memory_space<vmem>>
    %dma_wait3A_18 = tpu.memref_squeeze %dma_wait3A_17 : memref<1x128xi32, #tpu.memory_space<vmem>> -> memref<128xi32, #tpu.memory_space<vmem>>
    %dma_wait3A_19 = arith.constant 0 : i32
    %dma_wait3A_20 = arith.constant 0 : i32
    %dma_wait3A_21 = tpu.memref_slice %arg2[%dma_wait3A_19, %dma_wait3A_20] : memref<10240x64xf32, #tpu.memory_space<hbm>> -> memref<10240x64xf32, #tpu.memory_space<hbm>>
    tpu.wait_indirect_dma semaphore(%arg12 : memref<!tpu.dma_semaphore, #tpu.memory_space<semaphore_mem>>) src(%dma_wait3A_21 : memref<10240x64xf32, #tpu.memory_space<hbm>>) dst(%arg9 : memref<128x64xf32, #tpu.memory_space<vmem>>)
    %run_scoped3A = arith.constant 78 : i32
    "tpu.region"() ({
      %run_scoped3A_27 = tpu.sem_alloc : memref<!tpu.dma_semaphore, #tpu.memory_space<semaphore_mem>>
      %dma_start3A_28 = arith.constant 0 : i32
      %dma_start3A_29 = tpu.memref_slice %arg8[%run_scoped3A, %dma_start3A_28] : memref<79x128xi32, #tpu.memory_space<vmem>> -> memref<1x128xi32, #tpu.memory_space<vmem>>
      %dma_start3A_30 = tpu.memref_squeeze %dma_start3A_29 : memref<1x128xi32, #tpu.memory_space<vmem>> -> memref<128xi32, #tpu.memory_space<vmem>>
      %dma_start3A_31 = arith.constant 0 : i32
      %dma_start3A_32 = arith.constant 0 : i32
      %dma_start3A_33 = tpu.memref_slice %arg11[%dma_start3A_31, %dma_start3A_32] : memref<10240x64xf32, #tpu.memory_space<vmem_shared>> -> memref<10240x64xf32, #tpu.memory_space<vmem_shared>>
      tpu.enqueue_indirect_dma source(%arg9 : memref<128x64xf32, #tpu.memory_space<vmem>>) target(%dma_start3A_33 : memref<10240x64xf32, #tpu.memory_space<vmem_shared>>) offsets(%dma_start3A_30 : memref<128xi32, #tpu.memory_space<vmem>>) semaphore(%run_scoped3A_27 : memref<!tpu.dma_semaphore, #tpu.memory_space<semaphore_mem>>) {add = true}
      %dma_wait3A_34 = arith.constant 0 : i32
      %dma_wait3A_35 = tpu.memref_slice %arg8[%run_scoped3A, %dma_wait3A_34] : memref<79x128xi32, #tpu.memory_space<vmem>> -> memref<1x128xi32, #tpu.memory_space<vmem>>
      %dma_wait3A_36 = tpu.memref_squeeze %dma_wait3A_35 : memref<1x128xi32, #tpu.memory_space<vmem>> -> memref<128xi32, #tpu.memory_space<vmem>>
      %dma_wait3A_37 = arith.constant 0 : i32
      %dma_wait3A_38 = arith.constant 0 : i32
      %dma_wait3A_39 = tpu.memref_slice %arg11[%dma_wait3A_37, %dma_wait3A_38] : memref<10240x64xf32, #tpu.memory_space<vmem_shared>> -> memref<10240x64xf32, #tpu.memory_space<vmem_shared>>
      tpu.wait_indirect_dma semaphore(%run_scoped3A_27 : memref<!tpu.dma_semaphore, #tpu.memory_space<semaphore_mem>>) src(%arg9 : memref<128x64xf32, #tpu.memory_space<vmem>>) dst(%dma_wait3A_39 : memref<10240x64xf32, #tpu.memory_space<vmem_shared>>)
      tpu.yield
    }) : () -> ()
    %barrier3A_22 = arith.constant 0 : index
    tpu.barrier barrier_id(%barrier3A_22)
    %mul3A_23 = arith.constant 640 : i32
    %mul3A_24 = arith.muli %arg1, %mul3A_23 : i32
    %mul3A_25 = arith.constant 640 : i32
    %mul3A_26 = arith.muli %arg1, %mul3A_25 : i32
    "tpu.region"() ({
      %run_scoped3A_27 = tpu.sem_alloc : memref<!tpu.dma_semaphore, #tpu.memory_space<semaphore_mem>>
      %dma_start3A_28 = arith.constant 0 : i32
      %dma_start3A_29 = tpu.memref_slice %arg6[%arg0, %mul3A_26, %dma_start3A_28] : memref<2x10240x64xf32, #tpu.memory_space<hbm>> -> memref<1x640x64xf32, #tpu.memory_space<hbm>>
      %dma_start3A_30 = tpu.memref_squeeze %dma_start3A_29 : memref<1x640x64xf32, #tpu.memory_space<hbm>> -> memref<640x64xf32, #tpu.memory_space<hbm>>
      %dma_start3A_31 = arith.constant 0 : i32
      %dma_start3A_32 = tpu.memref_slice %arg11[%mul3A_24, %dma_start3A_31] : memref<10240x64xf32, #tpu.memory_space<vmem_shared>> -> memref<640x64xf32, #tpu.memory_space<vmem_shared>>
      tpu.enqueue_dma source(%dma_start3A_32 : memref<640x64xf32, #tpu.memory_space<vmem_shared>>) target(%dma_start3A_30 : memref<640x64xf32, #tpu.memory_space<hbm>>) target_semaphore(%run_scoped3A_27 : memref<!tpu.dma_semaphore, #tpu.memory_space<semaphore_mem>>)
      %dma_wait3A_33 = arith.constant 0 : i32
      %dma_wait3A_34 = tpu.memref_slice %arg6[%arg0, %mul3A_26, %dma_wait3A_33] : memref<2x10240x64xf32, #tpu.memory_space<hbm>> -> memref<1x640x64xf32, #tpu.memory_space<hbm>>
      %dma_wait3A_35 = tpu.memref_squeeze %dma_wait3A_34 : memref<1x640x64xf32, #tpu.memory_space<hbm>> -> memref<640x64xf32, #tpu.memory_space<hbm>>
      %dma_wait3A_36 = arith.constant 0 : i32
      %dma_wait3A_37 = tpu.memref_slice %arg11[%mul3A_24, %dma_wait3A_36] : memref<10240x64xf32, #tpu.memory_space<vmem_shared>> -> memref<640x64xf32, #tpu.memory_space<vmem_shared>>
      tpu.wait_dma2 semaphore(%run_scoped3A_27 : memref<!tpu.dma_semaphore, #tpu.memory_space<semaphore_mem>>) src(%dma_wait3A_37 : memref<640x64xf32, #tpu.memory_space<vmem_shared>>) dst(%dma_wait3A_35 : memref<640x64xf32, #tpu.memory_space<hbm>>)
      tpu.yield
    }) : () -> ()
    return
  }
}

#map = affine_map<(d0, d1) -> (0, 0)>
#map1 = affine_map<(d0, d1) -> (0, 0, 0)>
module attributes {stable_mosaic.version = 14 : i64} {
  func.func @_sc_segsum(%arg0: i32, %arg1: i32, %arg2: memref<10240x64xf32, #tpu.memory_space<hbm>>, %arg3: memref<32x79x128xi32, #tpu.memory_space<hbm>>, %arg4: memref<32x79x128xi32, #tpu.memory_space<hbm>>, %arg5: memref<10240x64xf32, #tpu.memory_space<hbm>>, %arg6: memref<2x10240x64xf32, #tpu.memory_space<hbm>>, %arg7: memref<79x128xi32, #tpu.memory_space<vmem>>, %arg8: memref<79x128xi32, #tpu.memory_space<vmem>>, %arg9: memref<128x64xf32, #tpu.memory_space<vmem>>, %arg10: memref<128x64xf32, #tpu.memory_space<vmem>>, %arg11: memref<10240x64xf32, #tpu.memory_space<vmem_shared>>, %arg12: memref<!tpu.dma_semaphore, #tpu.memory_space<semaphore_mem>>, %arg13: memref<!tpu.dma_semaphore, #tpu.memory_space<semaphore_mem>>) attributes {dimension_semantics = [#tpu.dimension_semantics<core_parallel>, #tpu.dimension_semantics<subcore_parallel>], iteration_bounds = array<i64: 2, 16>, scalar_prefetch = 0 : i64, scratch_operands = 7 : i64, tpu.core_type = #tpu.core_type<sc_vector_subcore>, window_params = [{transform_indices = #map}, {transform_indices = #map1}, {transform_indices = #map1}, {transform_indices = #map}, {transform_indices = #map1}]} {
    %mul3A = arith.constant 16 : i32
    %mul3A_0 = arith.muli %arg0, %mul3A : i32
    %add3A = arith.addi %mul3A_0, %arg1 : i32
    %mul3A_1 = arith.constant 640 : i32
    %mul3A_2 = arith.muli %arg1, %mul3A_1 : i32
    %mul3A_3 = arith.constant 640 : i32
    %mul3A_4 = arith.muli %arg1, %mul3A_3 : i32
    "tpu.region"() ({
      %run_scoped3A_27 = tpu.sem_alloc : memref<!tpu.dma_semaphore, #tpu.memory_space<semaphore_mem>>
      %dma_start3A_28 = arith.constant 0 : i32
      %dma_start3A_29 = tpu.memref_slice %arg11[%mul3A_4, %dma_start3A_28] : memref<10240x64xf32, #tpu.memory_space<vmem_shared>> -> memref<640x64xf32, #tpu.memory_space<vmem_shared>>
      %dma_start3A_30 = arith.constant 0 : i32
      %dma_start3A_31 = tpu.memref_slice %arg5[%mul3A_2, %dma_start3A_30] : memref<10240x64xf32, #tpu.memory_space<hbm>> -> memref<640x64xf32, #tpu.memory_space<hbm>>
      tpu.enqueue_dma source(%dma_start3A_31 : memref<640x64xf32, #tpu.memory_space<hbm>>) target(%dma_start3A_29 : memref<640x64xf32, #tpu.memory_space<vmem_shared>>) target_semaphore(%run_scoped3A_27 : memref<!tpu.dma_semaphore, #tpu.memory_space<semaphore_mem>>)
      %dma_wait3A_32 = arith.constant 0 : i32
      %dma_wait3A_33 = tpu.memref_slice %arg11[%mul3A_4, %dma_wait3A_32] : memref<10240x64xf32, #tpu.memory_space<vmem_shared>> -> memref<640x64xf32, #tpu.memory_space<vmem_shared>>
      %dma_wait3A_34 = arith.constant 0 : i32
      %dma_wait3A_35 = tpu.memref_slice %arg5[%mul3A_2, %dma_wait3A_34] : memref<10240x64xf32, #tpu.memory_space<hbm>> -> memref<640x64xf32, #tpu.memory_space<hbm>>
      tpu.wait_dma2 semaphore(%run_scoped3A_27 : memref<!tpu.dma_semaphore, #tpu.memory_space<semaphore_mem>>) src(%dma_wait3A_35 : memref<640x64xf32, #tpu.memory_space<hbm>>) dst(%dma_wait3A_33 : memref<640x64xf32, #tpu.memory_space<vmem_shared>>)
      tpu.yield
    }) : () -> ()
    "tpu.region"() ({
      %run_scoped3A_27 = tpu.sem_alloc : memref<!tpu.dma_semaphore, #tpu.memory_space<semaphore_mem>>
      %dma_start3A_28 = arith.constant 0 : i32
      %dma_start3A_29 = arith.constant 0 : i32
      %dma_start3A_30 = tpu.memref_slice %arg3[%add3A, %dma_start3A_28, %dma_start3A_29] : memref<32x79x128xi32, #tpu.memory_space<hbm>> -> memref<1x79x128xi32, #tpu.memory_space<hbm>>
      %dma_start3A_31 = tpu.memref_squeeze %dma_start3A_30 : memref<1x79x128xi32, #tpu.memory_space<hbm>> -> memref<79x128xi32, #tpu.memory_space<hbm>>
      %dma_start3A_32 = arith.constant 0 : i32
      %dma_start3A_33 = arith.constant 0 : i32
      %dma_start3A_34 = tpu.memref_slice %arg3[%add3A, %dma_start3A_32, %dma_start3A_33] : memref<32x79x128xi32, #tpu.memory_space<hbm>> -> memref<1x79x128xi32, #tpu.memory_space<hbm>>
      %dma_start3A_35 = tpu.memref_squeeze %dma_start3A_34 : memref<1x79x128xi32, #tpu.memory_space<hbm>> -> memref<79x128xi32, #tpu.memory_space<hbm>>
      tpu.enqueue_dma source(%dma_start3A_35 : memref<79x128xi32, #tpu.memory_space<hbm>>) target(%arg7 : memref<79x128xi32, #tpu.memory_space<vmem>>) target_semaphore(%run_scoped3A_27 : memref<!tpu.dma_semaphore, #tpu.memory_space<semaphore_mem>>)
      %dma_wait3A_36 = arith.constant 0 : i32
      %dma_wait3A_37 = arith.constant 0 : i32
      %dma_wait3A_38 = tpu.memref_slice %arg3[%add3A, %dma_wait3A_36, %dma_wait3A_37] : memref<32x79x128xi32, #tpu.memory_space<hbm>> -> memref<1x79x128xi32, #tpu.memory_space<hbm>>
      %dma_wait3A_39 = tpu.memref_squeeze %dma_wait3A_38 : memref<1x79x128xi32, #tpu.memory_space<hbm>> -> memref<79x128xi32, #tpu.memory_space<hbm>>
      %dma_wait3A_40 = arith.constant 0 : i32
      %dma_wait3A_41 = arith.constant 0 : i32
      %dma_wait3A_42 = tpu.memref_slice %arg3[%add3A, %dma_wait3A_40, %dma_wait3A_41] : memref<32x79x128xi32, #tpu.memory_space<hbm>> -> memref<1x79x128xi32, #tpu.memory_space<hbm>>
      %dma_wait3A_43 = tpu.memref_squeeze %dma_wait3A_42 : memref<1x79x128xi32, #tpu.memory_space<hbm>> -> memref<79x128xi32, #tpu.memory_space<hbm>>
      tpu.wait_dma2 semaphore(%run_scoped3A_27 : memref<!tpu.dma_semaphore, #tpu.memory_space<semaphore_mem>>) src(%dma_wait3A_43 : memref<79x128xi32, #tpu.memory_space<hbm>>) dst(%arg7 : memref<79x128xi32, #tpu.memory_space<vmem>>)
      tpu.yield
    }) : () -> ()
    "tpu.region"() ({
      %run_scoped3A_27 = tpu.sem_alloc : memref<!tpu.dma_semaphore, #tpu.memory_space<semaphore_mem>>
      %dma_start3A_28 = arith.constant 0 : i32
      %dma_start3A_29 = arith.constant 0 : i32
      %dma_start3A_30 = tpu.memref_slice %arg4[%add3A, %dma_start3A_28, %dma_start3A_29] : memref<32x79x128xi32, #tpu.memory_space<hbm>> -> memref<1x79x128xi32, #tpu.memory_space<hbm>>
      %dma_start3A_31 = tpu.memref_squeeze %dma_start3A_30 : memref<1x79x128xi32, #tpu.memory_space<hbm>> -> memref<79x128xi32, #tpu.memory_space<hbm>>
      %dma_start3A_32 = arith.constant 0 : i32
      %dma_start3A_33 = arith.constant 0 : i32
      %dma_start3A_34 = tpu.memref_slice %arg4[%add3A, %dma_start3A_32, %dma_start3A_33] : memref<32x79x128xi32, #tpu.memory_space<hbm>> -> memref<1x79x128xi32, #tpu.memory_space<hbm>>
      %dma_start3A_35 = tpu.memref_squeeze %dma_start3A_34 : memref<1x79x128xi32, #tpu.memory_space<hbm>> -> memref<79x128xi32, #tpu.memory_space<hbm>>
      tpu.enqueue_dma source(%dma_start3A_35 : memref<79x128xi32, #tpu.memory_space<hbm>>) target(%arg8 : memref<79x128xi32, #tpu.memory_space<vmem>>) target_semaphore(%run_scoped3A_27 : memref<!tpu.dma_semaphore, #tpu.memory_space<semaphore_mem>>)
      %dma_wait3A_36 = arith.constant 0 : i32
      %dma_wait3A_37 = arith.constant 0 : i32
      %dma_wait3A_38 = tpu.memref_slice %arg4[%add3A, %dma_wait3A_36, %dma_wait3A_37] : memref<32x79x128xi32, #tpu.memory_space<hbm>> -> memref<1x79x128xi32, #tpu.memory_space<hbm>>
      %dma_wait3A_39 = tpu.memref_squeeze %dma_wait3A_38 : memref<1x79x128xi32, #tpu.memory_space<hbm>> -> memref<79x128xi32, #tpu.memory_space<hbm>>
      %dma_wait3A_40 = arith.constant 0 : i32
      %dma_wait3A_41 = arith.constant 0 : i32
      %dma_wait3A_42 = tpu.memref_slice %arg4[%add3A, %dma_wait3A_40, %dma_wait3A_41] : memref<32x79x128xi32, #tpu.memory_space<hbm>> -> memref<1x79x128xi32, #tpu.memory_space<hbm>>
      %dma_wait3A_43 = tpu.memref_squeeze %dma_wait3A_42 : memref<1x79x128xi32, #tpu.memory_space<hbm>> -> memref<79x128xi32, #tpu.memory_space<hbm>>
      tpu.wait_dma2 semaphore(%run_scoped3A_27 : memref<!tpu.dma_semaphore, #tpu.memory_space<semaphore_mem>>) src(%dma_wait3A_43 : memref<79x128xi32, #tpu.memory_space<hbm>>) dst(%arg8 : memref<79x128xi32, #tpu.memory_space<vmem>>)
      tpu.yield
    }) : () -> ()
    %barrier3A = arith.constant 0 : index
    tpu.barrier barrier_id(%barrier3A)
    %dma_start3A = arith.constant 0 : i32
    %dma_start3A_5 = arith.constant 0 : i32
    %dma_start3A_6 = tpu.memref_slice %arg7[%dma_start3A, %dma_start3A_5] : memref<79x128xi32, #tpu.memory_space<vmem>> -> memref<1x128xi32, #tpu.memory_space<vmem>>
    %dma_start3A_7 = tpu.memref_squeeze %dma_start3A_6 : memref<1x128xi32, #tpu.memory_space<vmem>> -> memref<128xi32, #tpu.memory_space<vmem>>
    %dma_start3A_8 = arith.constant 0 : i32
    %dma_start3A_9 = arith.constant 0 : i32
    %dma_start3A_10 = tpu.memref_slice %arg2[%dma_start3A_8, %dma_start3A_9] : memref<10240x64xf32, #tpu.memory_space<hbm>> -> memref<10240x64xf32, #tpu.memory_space<hbm>>
    tpu.enqueue_indirect_dma source(%dma_start3A_10 : memref<10240x64xf32, #tpu.memory_space<hbm>>) target(%arg9 : memref<128x64xf32, #tpu.memory_space<vmem>>) offsets(%dma_start3A_7 : memref<128xi32, #tpu.memory_space<vmem>>) semaphore(%arg12 : memref<!tpu.dma_semaphore, #tpu.memory_space<semaphore_mem>>)
    %scan3A = arith.constant 0 : i32
    %scan3A_11 = arith.constant 0 : i32
    %scan3A_12 = arith.constant 39 : i32
    %scan3A_13 = arith.addi %scan3A_11, %scan3A_12 : i32
    %scan3A_14 = arith.constant 1 : i32
    scf.for %scan3A_27 = %scan3A_11 to %scan3A_13 step %scan3A_14  : i32 {
      %mul3A_28 = arith.constant 2 : i32
      %mul3A_29 = arith.muli %mul3A_28, %scan3A_27 : i32
      %add3A_30 = arith.constant 1 : i32
      %add3A_31 = arith.addi %mul3A_29, %add3A_30 : i32
      %dma_start3A_32 = arith.constant 0 : i32
      %dma_start3A_33 = tpu.memref_slice %arg7[%add3A_31, %dma_start3A_32] : memref<79x128xi32, #tpu.memory_space<vmem>> -> memref<1x128xi32, #tpu.memory_space<vmem>>
      %dma_start3A_34 = tpu.memref_squeeze %dma_start3A_33 : memref<1x128xi32, #tpu.memory_space<vmem>> -> memref<128xi32, #tpu.memory_space<vmem>>
      %dma_start3A_35 = arith.constant 0 : i32
      %dma_start3A_36 = arith.constant 0 : i32
      %dma_start3A_37 = tpu.memref_slice %arg2[%dma_start3A_35, %dma_start3A_36] : memref<10240x64xf32, #tpu.memory_space<hbm>> -> memref<10240x64xf32, #tpu.memory_space<hbm>>
      tpu.enqueue_indirect_dma source(%dma_start3A_37 : memref<10240x64xf32, #tpu.memory_space<hbm>>) target(%arg10 : memref<128x64xf32, #tpu.memory_space<vmem>>) offsets(%dma_start3A_34 : memref<128xi32, #tpu.memory_space<vmem>>) semaphore(%arg13 : memref<!tpu.dma_semaphore, #tpu.memory_space<semaphore_mem>>)
      %dma_wait3A_38 = arith.constant 0 : i32
      %dma_wait3A_39 = tpu.memref_slice %arg7[%mul3A_29, %dma_wait3A_38] : memref<79x128xi32, #tpu.memory_space<vmem>> -> memref<1x128xi32, #tpu.memory_space<vmem>>
      %dma_wait3A_40 = tpu.memref_squeeze %dma_wait3A_39 : memref<1x128xi32, #tpu.memory_space<vmem>> -> memref<128xi32, #tpu.memory_space<vmem>>
      %dma_wait3A_41 = arith.constant 0 : i32
      %dma_wait3A_42 = arith.constant 0 : i32
      %dma_wait3A_43 = tpu.memref_slice %arg2[%dma_wait3A_41, %dma_wait3A_42] : memref<10240x64xf32, #tpu.memory_space<hbm>> -> memref<10240x64xf32, #tpu.memory_space<hbm>>
      tpu.wait_indirect_dma semaphore(%arg12 : memref<!tpu.dma_semaphore, #tpu.memory_space<semaphore_mem>>) src(%dma_wait3A_43 : memref<10240x64xf32, #tpu.memory_space<hbm>>) dst(%arg9 : memref<128x64xf32, #tpu.memory_space<vmem>>)
      "tpu.region"() ({
        %run_scoped3A_62 = tpu.sem_alloc : memref<!tpu.dma_semaphore, #tpu.memory_space<semaphore_mem>>
        %dma_start3A_63 = arith.constant 0 : i32
        %dma_start3A_64 = tpu.memref_slice %arg8[%mul3A_29, %dma_start3A_63] : memref<79x128xi32, #tpu.memory_space<vmem>> -> memref<1x128xi32, #tpu.memory_space<vmem>>
        %dma_start3A_65 = tpu.memref_squeeze %dma_start3A_64 : memref<1x128xi32, #tpu.memory_space<vmem>> -> memref<128xi32, #tpu.memory_space<vmem>>
        %dma_start3A_66 = arith.constant 0 : i32
        %dma_start3A_67 = arith.constant 0 : i32
        %dma_start3A_68 = tpu.memref_slice %arg11[%dma_start3A_66, %dma_start3A_67] : memref<10240x64xf32, #tpu.memory_space<vmem_shared>> -> memref<10240x64xf32, #tpu.memory_space<vmem_shared>>
        tpu.enqueue_indirect_dma source(%arg9 : memref<128x64xf32, #tpu.memory_space<vmem>>) target(%dma_start3A_68 : memref<10240x64xf32, #tpu.memory_space<vmem_shared>>) offsets(%dma_start3A_65 : memref<128xi32, #tpu.memory_space<vmem>>) semaphore(%run_scoped3A_62 : memref<!tpu.dma_semaphore, #tpu.memory_space<semaphore_mem>>) {add = true}
        %dma_wait3A_69 = arith.constant 0 : i32
        %dma_wait3A_70 = tpu.memref_slice %arg8[%mul3A_29, %dma_wait3A_69] : memref<79x128xi32, #tpu.memory_space<vmem>> -> memref<1x128xi32, #tpu.memory_space<vmem>>
        %dma_wait3A_71 = tpu.memref_squeeze %dma_wait3A_70 : memref<1x128xi32, #tpu.memory_space<vmem>> -> memref<128xi32, #tpu.memory_space<vmem>>
        %dma_wait3A_72 = arith.constant 0 : i32
        %dma_wait3A_73 = arith.constant 0 : i32
        %dma_wait3A_74 = tpu.memref_slice %arg11[%dma_wait3A_72, %dma_wait3A_73] : memref<10240x64xf32, #tpu.memory_space<vmem_shared>> -> memref<10240x64xf32, #tpu.memory_space<vmem_shared>>
        tpu.wait_indirect_dma semaphore(%run_scoped3A_62 : memref<!tpu.dma_semaphore, #tpu.memory_space<semaphore_mem>>) src(%arg9 : memref<128x64xf32, #tpu.memory_space<vmem>>) dst(%dma_wait3A_74 : memref<10240x64xf32, #tpu.memory_space<vmem_shared>>)
        tpu.yield
      }) : () -> ()
      %add3A_44 = arith.constant 2 : i32
      %add3A_45 = arith.addi %mul3A_29, %add3A_44 : i32
      %dma_start3A_46 = arith.constant 0 : i32
      %dma_start3A_47 = tpu.memref_slice %arg7[%add3A_45, %dma_start3A_46] : memref<79x128xi32, #tpu.memory_space<vmem>> -> memref<1x128xi32, #tpu.memory_space<vmem>>
      %dma_start3A_48 = tpu.memref_squeeze %dma_start3A_47 : memref<1x128xi32, #tpu.memory_space<vmem>> -> memref<128xi32, #tpu.memory_space<vmem>>
      %dma_start3A_49 = arith.constant 0 : i32
      %dma_start3A_50 = arith.constant 0 : i32
      %dma_start3A_51 = tpu.memref_slice %arg2[%dma_start3A_49, %dma_start3A_50] : memref<10240x64xf32, #tpu.memory_space<hbm>> -> memref<10240x64xf32, #tpu.memory_space<hbm>>
      tpu.enqueue_indirect_dma source(%dma_start3A_51 : memref<10240x64xf32, #tpu.memory_space<hbm>>) target(%arg9 : memref<128x64xf32, #tpu.memory_space<vmem>>) offsets(%dma_start3A_48 : memref<128xi32, #tpu.memory_space<vmem>>) semaphore(%arg12 : memref<!tpu.dma_semaphore, #tpu.memory_space<semaphore_mem>>)
      %add3A_52 = arith.constant 1 : i32
      %add3A_53 = arith.addi %mul3A_29, %add3A_52 : i32
      %dma_wait3A_54 = arith.constant 0 : i32
      %dma_wait3A_55 = tpu.memref_slice %arg7[%add3A_53, %dma_wait3A_54] : memref<79x128xi32, #tpu.memory_space<vmem>> -> memref<1x128xi32, #tpu.memory_space<vmem>>
      %dma_wait3A_56 = tpu.memref_squeeze %dma_wait3A_55 : memref<1x128xi32, #tpu.memory_space<vmem>> -> memref<128xi32, #tpu.memory_space<vmem>>
      %dma_wait3A_57 = arith.constant 0 : i32
      %dma_wait3A_58 = arith.constant 0 : i32
      %dma_wait3A_59 = tpu.memref_slice %arg2[%dma_wait3A_57, %dma_wait3A_58] : memref<10240x64xf32, #tpu.memory_space<hbm>> -> memref<10240x64xf32, #tpu.memory_space<hbm>>
      tpu.wait_indirect_dma semaphore(%arg13 : memref<!tpu.dma_semaphore, #tpu.memory_space<semaphore_mem>>) src(%dma_wait3A_59 : memref<10240x64xf32, #tpu.memory_space<hbm>>) dst(%arg10 : memref<128x64xf32, #tpu.memory_space<vmem>>)
      %add3A_60 = arith.constant 1 : i32
      %add3A_61 = arith.addi %mul3A_29, %add3A_60 : i32
      "tpu.region"() ({
        %run_scoped3A_62 = tpu.sem_alloc : memref<!tpu.dma_semaphore, #tpu.memory_space<semaphore_mem>>
        %dma_start3A_63 = arith.constant 0 : i32
        %dma_start3A_64 = tpu.memref_slice %arg8[%add3A_61, %dma_start3A_63] : memref<79x128xi32, #tpu.memory_space<vmem>> -> memref<1x128xi32, #tpu.memory_space<vmem>>
        %dma_start3A_65 = tpu.memref_squeeze %dma_start3A_64 : memref<1x128xi32, #tpu.memory_space<vmem>> -> memref<128xi32, #tpu.memory_space<vmem>>
        %dma_start3A_66 = arith.constant 0 : i32
        %dma_start3A_67 = arith.constant 0 : i32
        %dma_start3A_68 = tpu.memref_slice %arg11[%dma_start3A_66, %dma_start3A_67] : memref<10240x64xf32, #tpu.memory_space<vmem_shared>> -> memref<10240x64xf32, #tpu.memory_space<vmem_shared>>
        tpu.enqueue_indirect_dma source(%arg10 : memref<128x64xf32, #tpu.memory_space<vmem>>) target(%dma_start3A_68 : memref<10240x64xf32, #tpu.memory_space<vmem_shared>>) offsets(%dma_start3A_65 : memref<128xi32, #tpu.memory_space<vmem>>) semaphore(%run_scoped3A_62 : memref<!tpu.dma_semaphore, #tpu.memory_space<semaphore_mem>>) {add = true}
        %dma_wait3A_69 = arith.constant 0 : i32
        %dma_wait3A_70 = tpu.memref_slice %arg8[%add3A_61, %dma_wait3A_69] : memref<79x128xi32, #tpu.memory_space<vmem>> -> memref<1x128xi32, #tpu.memory_space<vmem>>
        %dma_wait3A_71 = tpu.memref_squeeze %dma_wait3A_70 : memref<1x128xi32, #tpu.memory_space<vmem>> -> memref<128xi32, #tpu.memory_space<vmem>>
        %dma_wait3A_72 = arith.constant 0 : i32
        %dma_wait3A_73 = arith.constant 0 : i32
        %dma_wait3A_74 = tpu.memref_slice %arg11[%dma_wait3A_72, %dma_wait3A_73] : memref<10240x64xf32, #tpu.memory_space<vmem_shared>> -> memref<10240x64xf32, #tpu.memory_space<vmem_shared>>
        tpu.wait_indirect_dma semaphore(%run_scoped3A_62 : memref<!tpu.dma_semaphore, #tpu.memory_space<semaphore_mem>>) src(%arg10 : memref<128x64xf32, #tpu.memory_space<vmem>>) dst(%dma_wait3A_74 : memref<10240x64xf32, #tpu.memory_space<vmem_shared>>)
        tpu.yield
      }) : () -> ()
    }
    %scan3A_15 = arith.constant 39 : i32
    %dma_wait3A = arith.constant 78 : i32
    %dma_wait3A_16 = arith.constant 0 : i32
    %dma_wait3A_17 = tpu.memref_slice %arg7[%dma_wait3A, %dma_wait3A_16] : memref<79x128xi32, #tpu.memory_space<vmem>> -> memref<1x128xi32, #tpu.memory_space<vmem>>
    %dma_wait3A_18 = tpu.memref_squeeze %dma_wait3A_17 : memref<1x128xi32, #tpu.memory_space<vmem>> -> memref<128xi32, #tpu.memory_space<vmem>>
    %dma_wait3A_19 = arith.constant 0 : i32
    %dma_wait3A_20 = arith.constant 0 : i32
    %dma_wait3A_21 = tpu.memref_slice %arg2[%dma_wait3A_19, %dma_wait3A_20] : memref<10240x64xf32, #tpu.memory_space<hbm>> -> memref<10240x64xf32, #tpu.memory_space<hbm>>
    tpu.wait_indirect_dma semaphore(%arg12 : memref<!tpu.dma_semaphore, #tpu.memory_space<semaphore_mem>>) src(%dma_wait3A_21 : memref<10240x64xf32, #tpu.memory_space<hbm>>) dst(%arg9 : memref<128x64xf32, #tpu.memory_space<vmem>>)
    %run_scoped3A = arith.constant 78 : i32
    "tpu.region"() ({
      %run_scoped3A_27 = tpu.sem_alloc : memref<!tpu.dma_semaphore, #tpu.memory_space<semaphore_mem>>
      %dma_start3A_28 = arith.constant 0 : i32
      %dma_start3A_29 = tpu.memref_slice %arg8[%run_scoped3A, %dma_start3A_28] : memref<79x128xi32, #tpu.memory_space<vmem>> -> memref<1x128xi32, #tpu.memory_space<vmem>>
      %dma_start3A_30 = tpu.memref_squeeze %dma_start3A_29 : memref<1x128xi32, #tpu.memory_space<vmem>> -> memref<128xi32, #tpu.memory_space<vmem>>
      %dma_start3A_31 = arith.constant 0 : i32
      %dma_start3A_32 = arith.constant 0 : i32
      %dma_start3A_33 = tpu.memref_slice %arg11[%dma_start3A_31, %dma_start3A_32] : memref<10240x64xf32, #tpu.memory_space<vmem_shared>> -> memref<10240x64xf32, #tpu.memory_space<vmem_shared>>
      tpu.enqueue_indirect_dma source(%arg9 : memref<128x64xf32, #tpu.memory_space<vmem>>) target(%dma_start3A_33 : memref<10240x64xf32, #tpu.memory_space<vmem_shared>>) offsets(%dma_start3A_30 : memref<128xi32, #tpu.memory_space<vmem>>) semaphore(%run_scoped3A_27 : memref<!tpu.dma_semaphore, #tpu.memory_space<semaphore_mem>>) {add = true}
      %dma_wait3A_34 = arith.constant 0 : i32
      %dma_wait3A_35 = tpu.memref_slice %arg8[%run_scoped3A, %dma_wait3A_34] : memref<79x128xi32, #tpu.memory_space<vmem>> -> memref<1x128xi32, #tpu.memory_space<vmem>>
      %dma_wait3A_36 = tpu.memref_squeeze %dma_wait3A_35 : memref<1x128xi32, #tpu.memory_space<vmem>> -> memref<128xi32, #tpu.memory_space<vmem>>
      %dma_wait3A_37 = arith.constant 0 : i32
      %dma_wait3A_38 = arith.constant 0 : i32
      %dma_wait3A_39 = tpu.memref_slice %arg11[%dma_wait3A_37, %dma_wait3A_38] : memref<10240x64xf32, #tpu.memory_space<vmem_shared>> -> memref<10240x64xf32, #tpu.memory_space<vmem_shared>>
      tpu.wait_indirect_dma semaphore(%run_scoped3A_27 : memref<!tpu.dma_semaphore, #tpu.memory_space<semaphore_mem>>) src(%arg9 : memref<128x64xf32, #tpu.memory_space<vmem>>) dst(%dma_wait3A_39 : memref<10240x64xf32, #tpu.memory_space<vmem_shared>>)
      tpu.yield
    }) : () -> ()
    %barrier3A_22 = arith.constant 0 : index
    tpu.barrier barrier_id(%barrier3A_22)
    %mul3A_23 = arith.constant 640 : i32
    %mul3A_24 = arith.muli %arg1, %mul3A_23 : i32
    %mul3A_25 = arith.constant 640 : i32
    %mul3A_26 = arith.muli %arg1, %mul3A_25 : i32
    "tpu.region"() ({
      %run_scoped3A_27 = tpu.sem_alloc : memref<!tpu.dma_semaphore, #tpu.memory_space<semaphore_mem>>
      %dma_start3A_28 = arith.constant 0 : i32
      %dma_start3A_29 = tpu.memref_slice %arg6[%arg0, %mul3A_26, %dma_start3A_28] : memref<2x10240x64xf32, #tpu.memory_space<hbm>> -> memref<1x640x64xf32, #tpu.memory_space<hbm>>
      %dma_start3A_30 = tpu.memref_squeeze %dma_start3A_29 : memref<1x640x64xf32, #tpu.memory_space<hbm>> -> memref<640x64xf32, #tpu.memory_space<hbm>>
      %dma_start3A_31 = arith.constant 0 : i32
      %dma_start3A_32 = tpu.memref_slice %arg11[%mul3A_24, %dma_start3A_31] : memref<10240x64xf32, #tpu.memory_space<vmem_shared>> -> memref<640x64xf32, #tpu.memory_space<vmem_shared>>
      tpu.enqueue_dma source(%dma_start3A_32 : memref<640x64xf32, #tpu.memory_space<vmem_shared>>) target(%dma_start3A_30 : memref<640x64xf32, #tpu.memory_space<hbm>>) target_semaphore(%run_scoped3A_27 : memref<!tpu.dma_semaphore, #tpu.memory_space<semaphore_mem>>)
      %dma_wait3A_33 = arith.constant 0 : i32
      %dma_wait3A_34 = tpu.memref_slice %arg6[%arg0, %mul3A_26, %dma_wait3A_33] : memref<2x10240x64xf32, #tpu.memory_space<hbm>> -> memref<1x640x64xf32, #tpu.memory_space<hbm>>
      %dma_wait3A_35 = tpu.memref_squeeze %dma_wait3A_34 : memref<1x640x64xf32, #tpu.memory_space<hbm>> -> memref<640x64xf32, #tpu.memory_space<hbm>>
      %dma_wait3A_36 = arith.constant 0 : i32
      %dma_wait3A_37 = tpu.memref_slice %arg11[%mul3A_24, %dma_wait3A_36] : memref<10240x64xf32, #tpu.memory_space<vmem_shared>> -> memref<640x64xf32, #tpu.memory_space<vmem_shared>>
      tpu.wait_dma2 semaphore(%run_scoped3A_27 : memref<!tpu.dma_semaphore, #tpu.memory_space<semaphore_mem>>) src(%dma_wait3A_37 : memref<640x64xf32, #tpu.memory_space<vmem_shared>>) dst(%dma_wait3A_35 : memref<640x64xf32, #tpu.memory_space<hbm>>)
      tpu.yield
    }) : () -> ()
    return
  }
}

module attributes {stable_mosaic.version = 14 : i64} {
  func.func @_first_body(%arg0: i32, %arg1: memref<1000x128xf32, #tpu.memory_space<vmem>>, %arg2: memref<256x64xf32, #tpu.memory_space<vmem>>, %arg3: memref<1000x64xf32, #tpu.memory_space<vmem>>) attributes {dimension_semantics = [#tpu.dimension_semantics<arbitrary>], iteration_bounds = array<i64: 10>, scalar_prefetch = 0 : i64, scratch_operands = 0 : i64, tpu.core_type = #tpu.core_type<tc>, window_params = [{transform_indices = @transform_0, window_bounds = array<i64: 1000, 128>}, {pipeline_mode = #tpu.pipeline_mode<synchronous>, transform_indices = @transform_1, window_bounds = array<i64: 256, 64>}, {transform_indices = @transform_2, window_bounds = array<i64: 1000, 64>}]} {
    %get3A = arith.constant 0 : index
    %get3A_0 = arith.constant 0 : index
    %get3A_1 = vector.load %arg1[%get3A, %get3A_0] : memref<1000x128xf32, #tpu.memory_space<vmem>>, vector<1000x128xf32>
    %sub3A = arith.constant 1.000000e+00 : f32
    %sub3A_2 = vector.broadcast %sub3A : f32 to vector<1000x128xf32>
    %sub3A_3 = arith.subf %sub3A_2, %get3A_1 : vector<1000x128xf32>
    %concatenate3A = tpu.concatenate %get3A_1, %sub3A_3 in 1 : vector<1000x128xf32>, vector<1000x128xf32> -> vector<1000x256xf32>
    %get3A_4 = arith.constant 0 : index
    %get3A_5 = arith.constant 0 : index
    %get3A_6 = vector.load %arg2[%get3A_4, %get3A_5] : memref<256x64xf32, #tpu.memory_space<vmem>>, vector<256x64xf32>
    %dot_general3A = arith.constant dense<0.000000e+00> : vector<1000x64xf32>
    %dot_general3A_7 = tpu.matmul %concatenate3A, %get3A_6, %dot_general3A {dimension_numbers = #tpu.dot_dimension_numbers<[1], [0], [0], [1], [0, 0, 1, 1], [], []>, precision = #tpu.contract_precision<fp32>, transpose_lhs_hint = false} : vector<1000x256xf32>, vector<256x64xf32>, vector<1000x64xf32> -> vector<1000x64xf32>
    %swap3A = arith.constant 0 : index
    %swap3A_8 = arith.constant 0 : index
    %swap3A_9 = vector.load %arg3[%swap3A, %swap3A_8] : memref<1000x64xf32, #tpu.memory_space<vmem>>, vector<1000x64xf32>
    tpu.vector_store %arg3[%swap3A, %swap3A_8], %dot_general3A_7 {strides = array<i32>} : memref<1000x64xf32, #tpu.memory_space<vmem>>, vector<1000x64xf32>,
    return
  }
  func.func @transform_0(%arg0: i32) -> (i32, i32) {
    %c0_i32 = arith.constant 0 : i32
    %c0_i32_0 = arith.constant 0 : i32
    return %arg0, %c0_i32 : i32, i32
  }
  func.func @transform_1(%arg0: i32) -> (i32, i32) {
    %c0_i32 = arith.constant 0 : i32
    %c0_i32_0 = arith.constant 0 : i32
    %c0_i32_1 = arith.constant 0 : i32
    return %c0_i32, %c0_i32_0 : i32, i32
  }
  func.func @transform_2(%arg0: i32) -> (i32, i32) {
    %c0_i32 = arith.constant 0 : i32
    %c0_i32_0 = arith.constant 0 : i32
    return %arg0, %c0_i32 : i32, i32
  }
}

module attributes {stable_mosaic.version = 14 : i64} {
  func.func @_mid_body(%arg0: i32, %arg1: memref<1000x64xf32, #tpu.memory_space<vmem>>, %arg2: memref<1x1000x64xf32, #tpu.memory_space<vmem>>, %arg3: memref<1x1000x64xf32, #tpu.memory_space<vmem>>, %arg4: memref<1x64xf32, #tpu.memory_space<vmem>>, %arg5: memref<128x64xf32, #tpu.memory_space<vmem>>, %arg6: memref<1000x64xf32, #tpu.memory_space<vmem>>, %arg7: memref<1000x64xf32, #tpu.memory_space<vmem>>) attributes {dimension_semantics = [#tpu.dimension_semantics<arbitrary>], iteration_bounds = array<i64: 10>, scalar_prefetch = 0 : i64, scratch_operands = 0 : i64, tpu.core_type = #tpu.core_type<tc>, window_params = [{transform_indices = @transform_0, window_bounds = array<i64: 1000, 64>}, {transform_indices = @transform_1, window_bounds = array<i64: 1, 1000, 64>}, {transform_indices = @transform_2, window_bounds = array<i64: 1, 1000, 64>}, {pipeline_mode = #tpu.pipeline_mode<synchronous>, transform_indices = @transform_3, window_bounds = array<i64: 1, 64>}, {pipeline_mode = #tpu.pipeline_mode<synchronous>, transform_indices = @transform_4, window_bounds = array<i64: 128, 64>}, {transform_indices = @transform_5, window_bounds = array<i64: 1000, 64>}, {transform_indices = @transform_6, window_bounds = array<i64: 1000, 64>}]} {
    %get3A = arith.constant 0 : index
    %get3A_0 = arith.constant 0 : index
    %get3A_1 = vector.load %arg1[%get3A, %get3A_0] : memref<1000x64xf32, #tpu.memory_space<vmem>>, vector<1000x64xf32>
    %mul3A = arith.constant 2.000000e+00 : f32
    %mul3A_2 = vector.broadcast %mul3A : f32 to vector<1000x64xf32>
    %mul3A_3 = arith.mulf %mul3A_2, %get3A_1 : vector<1000x64xf32>
    %get3A_4 = arith.constant 0 : index
    %get3A_5 = arith.constant 0 : index
    %get3A_6 = arith.constant 0 : index
    %get3A_7 = vector.load %arg2[%get3A_4, %get3A_5, %get3A_6] : memref<1x1000x64xf32, #tpu.memory_space<vmem>>, vector<1x1000x64xf32>
    %get3A_8 = vector.shape_cast %get3A_7 : vector<1x1000x64xf32> to vector<1000x64xf32>
    %add3A = arith.addf %mul3A_3, %get3A_8 : vector<1000x64xf32>
    %get3A_9 = arith.constant 0 : index
    %get3A_10 = arith.constant 0 : index
    %get3A_11 = arith.constant 0 : index
    %get3A_12 = vector.load %arg3[%get3A_9, %get3A_10, %get3A_11] : memref<1x1000x64xf32, #tpu.memory_space<vmem>>, vector<1x1000x64xf32>
    %get3A_13 = vector.shape_cast %get3A_12 : vector<1x1000x64xf32> to vector<1000x64xf32>
    %add3A_14 = arith.addf %add3A, %get3A_13 : vector<1000x64xf32>
    %get3A_15 = arith.constant 0 : index
    %get3A_16 = arith.constant 0 : index
    %get3A_17 = vector.load %arg4[%get3A_15, %get3A_16] : memref<1x64xf32, #tpu.memory_space<vmem>>, vector<1x64xf32>
    %add3A_18 = vector.broadcast %get3A_17 : vector<1x64xf32> to vector<1000x64xf32>
    %add3A_19 = arith.addf %add3A_14, %add3A_18 : vector<1000x64xf32>
    %neg3A = arith.constant 0.000000e+00 : f32
    %neg3A_20 = vector.broadcast %neg3A : f32 to vector<1000x64xf32>
    %neg3A_21 = arith.subf %neg3A_20, %add3A_19 : vector<1000x64xf32>
    %exp3A = math.exp %neg3A_21 : vector<1000x64xf32>
    %add3A_22 = arith.constant 1.000000e+00 : f32
    %add3A_23 = vector.broadcast %add3A_22 : f32 to vector<1000x64xf32>
    %add3A_24 = arith.addf %add3A_23, %exp3A : vector<1000x64xf32>
    %div3A = arith.constant 1.000000e+00 : f32
    %div3A_25 = vector.broadcast %div3A : f32 to vector<1000x64xf32>
    %div3A_26 = arith.divf %div3A_25, %add3A_24 : vector<1000x64xf32>
    %swap3A = arith.constant 0 : index
    %swap3A_27 = arith.constant 0 : index
    %swap3A_28 = vector.load %arg6[%swap3A, %swap3A_27] : memref<1000x64xf32, #tpu.memory_space<vmem>>, vector<1000x64xf32>
    tpu.vector_store %arg6[%swap3A, %swap3A_27], %div3A_26 {strides = array<i32>} : memref<1000x64xf32, #tpu.memory_space<vmem>>, vector<1000x64xf32>,
    %sub3A = arith.constant 1.000000e+00 : f32
    %sub3A_29 = vector.broadcast %sub3A : f32 to vector<1000x64xf32>
    %sub3A_30 = arith.subf %sub3A_29, %div3A_26 : vector<1000x64xf32>
    %concatenate3A = tpu.concatenate %div3A_26, %sub3A_30 in 1 : vector<1000x64xf32>, vector<1000x64xf32> -> vector<1000x128xf32>
    %get3A_31 = arith.constant 0 : index
    %get3A_32 = arith.constant 0 : index
    %get3A_33 = vector.load %arg5[%get3A_31, %get3A_32] : memref<128x64xf32, #tpu.memory_space<vmem>>, vector<128x64xf32>
    %dot_general3A = arith.constant dense<0.000000e+00> : vector<1000x64xf32>
    %dot_general3A_34 = tpu.matmul %concatenate3A, %get3A_33, %dot_general3A {dimension_numbers = #tpu.dot_dimension_numbers<[1], [0], [0], [1], [0, 0, 1, 1], [], []>, precision = #tpu.contract_precision<fp32>, transpose_lhs_hint = false} : vector<1000x128xf32>, vector<128x64xf32>, vector<1000x64xf32> -> vector<1000x64xf32>
    %swap3A_35 = arith.constant 0 : index
    %swap3A_36 = arith.constant 0 : index
    %swap3A_37 = vector.load %arg7[%swap3A_35, %swap3A_36] : memref<1000x64xf32, #tpu.memory_space<vmem>>, vector<1000x64xf32>
    tpu.vector_store %arg7[%swap3A_35, %swap3A_36], %dot_general3A_34 {strides = array<i32>} : memref<1000x64xf32, #tpu.memory_space<vmem>>, vector<1000x64xf32>,
    return
  }
  func.func @transform_0(%arg0: i32) -> (i32, i32) {
    %c0_i32 = arith.constant 0 : i32
    %c0_i32_0 = arith.constant 0 : i32
    return %arg0, %c0_i32 : i32, i32
  }
  func.func @transform_1(%arg0: i32) -> (i32, i32, i32) {
    %c0_i32 = arith.constant 0 : i32
    %c0_i32_0 = arith.constant 0 : i32
    %c0_i32_1 = arith.constant 0 : i32
    return %c0_i32, %arg0, %c0_i32_0 : i32, i32, i32
  }
  func.func @transform_2(%arg0: i32) -> (i32, i32, i32) {
    %c1_i32 = arith.constant 1 : i32
    %c0_i32 = arith.constant 0 : i32
    %c0_i32_0 = arith.constant 0 : i32
    return %c1_i32, %arg0, %c0_i32 : i32, i32, i32
  }
  func.func @transform_3(%arg0: i32) -> (i32, i32) {
    %c0_i32 = arith.constant 0 : i32
    %c0_i32_0 = arith.constant 0 : i32
    %c0_i32_1 = arith.constant 0 : i32
    return %c0_i32, %c0_i32_0 : i32, i32
  }
  func.func @transform_4(%arg0: i32) -> (i32, i32) {
    %c0_i32 = arith.constant 0 : i32
    %c0_i32_0 = arith.constant 0 : i32
    %c0_i32_1 = arith.constant 0 : i32
    return %c0_i32, %c0_i32_0 : i32, i32
  }
  func.func @transform_5(%arg0: i32) -> (i32, i32) {
    %c0_i32 = arith.constant 0 : i32
    %c0_i32_0 = arith.constant 0 : i32
    return %arg0, %c0_i32 : i32, i32
  }
  func.func @transform_6(%arg0: i32) -> (i32, i32) {
    %c0_i32 = arith.constant 0 : i32
    %c0_i32_0 = arith.constant 0 : i32
    return %arg0, %c0_i32 : i32, i32
  }
}

module attributes {stable_mosaic.version = 14 : i64} {
  func.func @_pool_body(%arg0: i32, %arg1: memref<1000x64xf32, #tpu.memory_space<vmem>>, %arg2: memref<1000x64xf32, #tpu.memory_space<vmem>>, %arg3: memref<1000x64xf32, #tpu.memory_space<vmem>>, %arg4: memref<1x1000x64xf32, #tpu.memory_space<vmem>>, %arg5: memref<1x1000x64xf32, #tpu.memory_space<vmem>>, %arg6: memref<1x64xf32, #tpu.memory_space<vmem>>, %arg7: memref<1x1x1000xi32, #tpu.memory_space<vmem>>, %arg8: memref<1000x1xi32, #tpu.memory_space<vmem>>, %arg9: memref<100x192xf32, #tpu.memory_space<vmem>>, %arg10: memref<100x192xf32, #tpu.memory_space<vmem>>, %arg11: memref<100x128xf32, #tpu.memory_space<vmem>>) attributes {dimension_semantics = [#tpu.dimension_semantics<arbitrary>], iteration_bounds = array<i64: 10>, scalar_prefetch = 0 : i64, scratch_operands = 0 : i64, tpu.core_type = #tpu.core_type<tc>, window_params = [{transform_indices = @transform_0, window_bounds = array<i64: 1000, 64>}, {transform_indices = @transform_1, window_bounds = array<i64: 1000, 64>}, {transform_indices = @transform_2, window_bounds = array<i64: 1000, 64>}, {transform_indices = @transform_3, window_bounds = array<i64: 1, 1000, 64>}, {transform_indices = @transform_4, window_bounds = array<i64: 1, 1000, 64>}, {pipeline_mode = #tpu.pipeline_mode<synchronous>, transform_indices = @transform_5, window_bounds = array<i64: 1, 64>}, {transform_indices = @transform_6, window_bounds = array<i64: 1, 1, 1000>}, {transform_indices = @transform_7, window_bounds = array<i64: 1000, 1>}, {pipeline_mode = #tpu.pipeline_mode<synchronous>, transform_indices = @transform_8, window_bounds = array<i64: 100, 192>}, {pipeline_mode = #tpu.pipeline_mode<synchronous>, transform_indices = @transform_9, window_bounds = array<i64: 100, 192>}, {pipeline_mode = #tpu.pipeline_mode<synchronous>, transform_indices = @transform_10, window_bounds = array<i64: 100, 128>}]} {
    %eq3A = arith.constant 0 : i32
    %eq3A_0 = arith.cmpi eq, %arg0, %eq3A : i32
    %convert_element_type3A = arith.extui %eq3A_0 : i1 to i32
    %cond3A = arith.constant 0 : i32
    %cond3A_1 = arith.cmpi ne, %convert_element_type3A, %cond3A : i32
    scf.if %cond3A_1 {
      %broadcast_in_dim3A_231 = arith.constant 0.000000e+00 : f32
      %broadcast_in_dim3A_232 = vector.broadcast %broadcast_in_dim3A_231 : f32 to vector<100x192xf32>
      %swap3A_233 = arith.constant 0 : index
      %swap3A_234 = arith.constant 0 : index
      %swap3A_235 = vector.load %arg9[%swap3A_233, %swap3A_234] : memref<100x192xf32, #tpu.memory_space<vmem>>, vector<100x192xf32>
      tpu.vector_store %arg9[%swap3A_233, %swap3A_234], %broadcast_in_dim3A_232 {strides = array<i32>} : memref<100x192xf32, #tpu.memory_space<vmem>>, vector<100x192xf32>,
      %broadcast_in_dim3A_236 = arith.constant 0.000000e+00 : f32
      %broadcast_in_dim3A_237 = vector.broadcast %broadcast_in_dim3A_236 : f32 to vector<100x192xf32>
      %swap3A_238 = arith.constant 0 : index
      %swap3A_239 = arith.constant 0 : index
      %swap3A_240 = vector.load %arg10[%swap3A_238, %swap3A_239] : memref<100x192xf32, #tpu.memory_space<vmem>>, vector<100x192xf32>
      tpu.vector_store %arg10[%swap3A_238, %swap3A_239], %broadcast_in_dim3A_237 {strides = array<i32>} : memref<100x192xf32, #tpu.memory_space<vmem>>, vector<100x192xf32>,
      %broadcast_in_dim3A_241 = arith.constant 0.000000e+00 : f32
      %broadcast_in_dim3A_242 = vector.broadcast %broadcast_in_dim3A_241 : f32 to vector<100x128xf32>
      %swap3A_243 = arith.constant 0 : index
      %swap3A_244 = arith.constant 0 : index
      %swap3A_245 = vector.load %arg11[%swap3A_243, %swap3A_244] : memref<100x128xf32, #tpu.memory_space<vmem>>, vector<100x128xf32>
      tpu.vector_store %arg11[%swap3A_243, %swap3A_244], %broadcast_in_dim3A_242 {strides = array<i32>} : memref<100x128xf32, #tpu.memory_space<vmem>>, vector<100x128xf32>,
    } else {
    }
    %get3A = arith.constant 0 : index
    %get3A_2 = arith.constant 0 : index
    %get3A_3 = vector.load %arg3[%get3A, %get3A_2] : memref<1000x64xf32, #tpu.memory_space<vmem>>, vector<1000x64xf32>
    %mul3A = arith.constant 2.000000e+00 : f32
    %mul3A_4 = vector.broadcast %mul3A : f32 to vector<1000x64xf32>
    %mul3A_5 = arith.mulf %mul3A_4, %get3A_3 : vector<1000x64xf32>
    %get3A_6 = arith.constant 0 : index
    %get3A_7 = arith.constant 0 : index
    %get3A_8 = arith.constant 0 : index
    %get3A_9 = vector.load %arg4[%get3A_6, %get3A_7, %get3A_8] : memref<1x1000x64xf32, #tpu.memory_space<vmem>>, vector<1x1000x64xf32>
    %get3A_10 = vector.shape_cast %get3A_9 : vector<1x1000x64xf32> to vector<1000x64xf32>
    %add3A = arith.addf %mul3A_5, %get3A_10 : vector<1000x64xf32>
    %get3A_11 = arith.constant 0 : index
    %get3A_12 = arith.constant 0 : index
    %get3A_13 = arith.constant 0 : index
    %get3A_14 = vector.load %arg5[%get3A_11, %get3A_12, %get3A_13] : memref<1x1000x64xf32, #tpu.memory_space<vmem>>, vector<1x1000x64xf32>
    %get3A_15 = vector.shape_cast %get3A_14 : vector<1x1000x64xf32> to vector<1000x64xf32>
    %add3A_16 = arith.addf %add3A, %get3A_15 : vector<1000x64xf32>
    %get3A_17 = arith.constant 0 : index
    %get3A_18 = arith.constant 0 : index
    %get3A_19 = vector.load %arg6[%get3A_17, %get3A_18] : memref<1x64xf32, #tpu.memory_space<vmem>>, vector<1x64xf32>
    %add3A_20 = vector.broadcast %get3A_19 : vector<1x64xf32> to vector<1000x64xf32>
    %add3A_21 = arith.addf %add3A_16, %add3A_20 : vector<1000x64xf32>
    %neg3A = arith.constant 0.000000e+00 : f32
    %neg3A_22 = vector.broadcast %neg3A : f32 to vector<1000x64xf32>
    %neg3A_23 = arith.subf %neg3A_22, %add3A_21 : vector<1000x64xf32>
    %exp3A = math.exp %neg3A_23 : vector<1000x64xf32>
    %add3A_24 = arith.constant 1.000000e+00 : f32
    %add3A_25 = vector.broadcast %add3A_24 : f32 to vector<1000x64xf32>
    %add3A_26 = arith.addf %add3A_25, %exp3A : vector<1000x64xf32>
    %div3A = arith.constant 1.000000e+00 : f32
    %div3A_27 = vector.broadcast %div3A : f32 to vector<1000x64xf32>
    %div3A_28 = arith.divf %div3A_27, %add3A_26 : vector<1000x64xf32>
    %get3A_29 = arith.constant 0 : index
    %get3A_30 = arith.constant 0 : index
    %get3A_31 = vector.load %arg1[%get3A_29, %get3A_30] : memref<1000x64xf32, #tpu.memory_space<vmem>>, vector<1000x64xf32>
    %get3A_32 = arith.constant 0 : index
    %get3A_33 = arith.constant 0 : index
    %get3A_34 = vector.load %arg2[%get3A_32, %get3A_33] : memref<1000x64xf32, #tpu.memory_space<vmem>>, vector<1000x64xf32>
    %concatenate3A = tpu.concatenate %get3A_31, %get3A_34, %div3A_28 in 1 : vector<1000x64xf32>, vector<1000x64xf32>, vector<1000x64xf32> -> vector<1000x192xf32>
    %get3A_35 = arith.constant 0 : index
    %get3A_36 = arith.constant 0 : index
    %get3A_37 = arith.constant 0 : index
    %get3A_38 = vector.load %arg7[%get3A_35, %get3A_36, %get3A_37] : memref<1x1x1000xi32, #tpu.memory_space<vmem>>, vector<1x1x1000xi32>
    %get3A_39 = vector.shape_cast %get3A_38 : vector<1x1x1000xi32> to vector<1x1000xi32>
    %get3A_40 = arith.constant 0 : index
    %get3A_41 = arith.constant 0 : index
    %get3A_42 = vector.load %arg8[%get3A_40, %get3A_41] : memref<1000x1xi32, #tpu.memory_space<vmem>>, vector<1000x1xi32>
    %broadcast_in_dim3A = arith.constant -1 : i32
    %broadcast_in_dim3A_43 = vector.broadcast %broadcast_in_dim3A : i32 to vector<1x1xi32>
    %slice3A = vector.extract_strided_slice %get3A_42 {offsets = [0, 0], sizes = [999, 1], strides = [1, 1]} : vector<1000x1xi32> to vector<999x1xi32>
    %concatenate3A_44 = tpu.concatenate %broadcast_in_dim3A_43, %slice3A in 0 : vector<1x1xi32>, vector<999x1xi32> -> vector<1000x1xi32>
    %eq3A_45 = arith.cmpi eq, %get3A_42, %concatenate3A_44 : vector<1000x1xi32>
    %broadcast_in_dim3A_46 = arith.constant 0.000000e+00 : f32
    %broadcast_in_dim3A_47 = vector.broadcast %broadcast_in_dim3A_46 : f32 to vector<1x192xf32>
    %slice3A_48 = vector.extract_strided_slice %concatenate3A {offsets = [0, 0], sizes = [999, 192], strides = [1, 1]} : vector<1000x192xf32> to vector<999x192xf32>
    %concatenate3A_49 = tpu.concatenate %broadcast_in_dim3A_47, %slice3A_48 in 0 : vector<1x192xf32>, vector<999x192xf32> -> vector<1000x192xf32>
    %jit3A = arith.constant 0.000000e+00 : f32
    %broadcast_in_dim3A_50 = vector.shape_cast %eq3A_45 : vector<1000x1xi1> to vector<1000x1xi1>
    %broadcast_in_dim3A_51 = vector.broadcast %broadcast_in_dim3A_50 : vector<1000x1xi1> to vector<1000x192xi1>
    %broadcast_in_dim3A_52 = vector.broadcast %jit3A : f32 to vector<1000x192xf32>
    %select_n3A = arith.select %broadcast_in_dim3A_51, %concatenate3A_49, %broadcast_in_dim3A_52 : vector<1000x192xi1>, vector<1000x192xf32>
    %max3A = arith.maximumf %concatenate3A, %select_n3A : vector<1000x192xf32>
    %broadcast_in_dim3A_53 = arith.constant -1 : i32
    %broadcast_in_dim3A_54 = vector.broadcast %broadcast_in_dim3A_53 : i32 to vector<2x1xi32>
    %slice3A_55 = vector.extract_strided_slice %get3A_42 {offsets = [0, 0], sizes = [998, 1], strides = [1, 1]} : vector<1000x1xi32> to vector<998x1xi32>
    %concatenate3A_56 = tpu.concatenate %broadcast_in_dim3A_54, %slice3A_55 in 0 : vector<2x1xi32>, vector<998x1xi32> -> vector<1000x1xi32>
    %eq3A_57 = arith.cmpi eq, %get3A_42, %concatenate3A_56 : vector<1000x1xi32>
    %broadcast_in_dim3A_58 = arith.constant 0.000000e+00 : f32
    %broadcast_in_dim3A_59 = vector.broadcast %broadcast_in_dim3A_58 : f32 to vector<2x192xf32>
    %slice3A_60 = vector.extract_strided_slice %max3A {offsets = [0, 0], sizes = [998, 192], strides = [1, 1]} : vector<1000x192xf32> to vector<998x192xf32>
    %concatenate3A_61 = tpu.concatenate %broadcast_in_dim3A_59, %slice3A_60 in 0 : vector<2x192xf32>, vector<998x192xf32> -> vector<1000x192xf32>
    %jit3A_62 = arith.constant 0.000000e+00 : f32
    %broadcast_in_dim3A_63 = vector.shape_cast %eq3A_57 : vector<1000x1xi1> to vector<1000x1xi1>
    %broadcast_in_dim3A_64 = vector.broadcast %broadcast_in_dim3A_63 : vector<1000x1xi1> to vector<1000x192xi1>
    %broadcast_in_dim3A_65 = vector.broadcast %jit3A_62 : f32 to vector<1000x192xf32>
    %select_n3A_66 = arith.select %broadcast_in_dim3A_64, %concatenate3A_61, %broadcast_in_dim3A_65 : vector<1000x192xi1>, vector<1000x192xf32>
    %max3A_67 = arith.maximumf %max3A, %select_n3A_66 : vector<1000x192xf32>
    %broadcast_in_dim3A_68 = arith.constant -1 : i32
    %broadcast_in_dim3A_69 = vector.broadcast %broadcast_in_dim3A_68 : i32 to vector<4x1xi32>
    %slice3A_70 = vector.extract_strided_slice %get3A_42 {offsets = [0, 0], sizes = [996, 1], strides = [1, 1]} : vector<1000x1xi32> to vector<996x1xi32>
    %concatenate3A_71 = tpu.concatenate %broadcast_in_dim3A_69, %slice3A_70 in 0 : vector<4x1xi32>, vector<996x1xi32> -> vector<1000x1xi32>
    %eq3A_72 = arith.cmpi eq, %get3A_42, %concatenate3A_71 : vector<1000x1xi32>
    %broadcast_in_dim3A_73 = arith.constant 0.000000e+00 : f32
    %broadcast_in_dim3A_74 = vector.broadcast %broadcast_in_dim3A_73 : f32 to vector<4x192xf32>
    %slice3A_75 = vector.extract_strided_slice %max3A_67 {offsets = [0, 0], sizes = [996, 192], strides = [1, 1]} : vector<1000x192xf32> to vector<996x192xf32>
    %concatenate3A_76 = tpu.concatenate %broadcast_in_dim3A_74, %slice3A_75 in 0 : vector<4x192xf32>, vector<996x192xf32> -> vector<1000x192xf32>
    %jit3A_77 = arith.constant 0.000000e+00 : f32
    %broadcast_in_dim3A_78 = vector.shape_cast %eq3A_72 : vector<1000x1xi1> to vector<1000x1xi1>
    %broadcast_in_dim3A_79 = vector.broadcast %broadcast_in_dim3A_78 : vector<1000x1xi1> to vector<1000x192xi1>
    %broadcast_in_dim3A_80 = vector.broadcast %jit3A_77 : f32 to vector<1000x192xf32>
    %select_n3A_81 = arith.select %broadcast_in_dim3A_79, %concatenate3A_76, %broadcast_in_dim3A_80 : vector<1000x192xi1>, vector<1000x192xf32>
    %max3A_82 = arith.maximumf %max3A_67, %select_n3A_81 : vector<1000x192xf32>
    %broadcast_in_dim3A_83 = arith.constant -1 : i32
    %broadcast_in_dim3A_84 = vector.broadcast %broadcast_in_dim3A_83 : i32 to vector<8x1xi32>
    %slice3A_85 = vector.extract_strided_slice %get3A_42 {offsets = [0, 0], sizes = [992, 1], strides = [1, 1]} : vector<1000x1xi32> to vector<992x1xi32>
    %concatenate3A_86 = tpu.concatenate %broadcast_in_dim3A_84, %slice3A_85 in 0 : vector<8x1xi32>, vector<992x1xi32> -> vector<1000x1xi32>
    %eq3A_87 = arith.cmpi eq, %get3A_42, %concatenate3A_86 : vector<1000x1xi32>
    %broadcast_in_dim3A_88 = arith.constant 0.000000e+00 : f32
    %broadcast_in_dim3A_89 = vector.broadcast %broadcast_in_dim3A_88 : f32 to vector<8x192xf32>
    %slice3A_90 = vector.extract_strided_slice %max3A_82 {offsets = [0, 0], sizes = [992, 192], strides = [1, 1]} : vector<1000x192xf32> to vector<992x192xf32>
    %concatenate3A_91 = tpu.concatenate %broadcast_in_dim3A_89, %slice3A_90 in 0 : vector<8x192xf32>, vector<992x192xf32> -> vector<1000x192xf32>
    %jit3A_92 = arith.constant 0.000000e+00 : f32
    %broadcast_in_dim3A_93 = vector.shape_cast %eq3A_87 : vector<1000x1xi1> to vector<1000x1xi1>
    %broadcast_in_dim3A_94 = vector.broadcast %broadcast_in_dim3A_93 : vector<1000x1xi1> to vector<1000x192xi1>
    %broadcast_in_dim3A_95 = vector.broadcast %jit3A_92 : f32 to vector<1000x192xf32>
    %select_n3A_96 = arith.select %broadcast_in_dim3A_94, %concatenate3A_91, %broadcast_in_dim3A_95 : vector<1000x192xi1>, vector<1000x192xf32>
    %max3A_97 = arith.maximumf %max3A_82, %select_n3A_96 : vector<1000x192xf32>
    %broadcast_in_dim3A_98 = arith.constant -1 : i32
    %broadcast_in_dim3A_99 = vector.broadcast %broadcast_in_dim3A_98 : i32 to vector<16x1xi32>
    %slice3A_100 = vector.extract_strided_slice %get3A_42 {offsets = [0, 0], sizes = [984, 1], strides = [1, 1]} : vector<1000x1xi32> to vector<984x1xi32>
    %concatenate3A_101 = tpu.concatenate %broadcast_in_dim3A_99, %slice3A_100 in 0 : vector<16x1xi32>, vector<984x1xi32> -> vector<1000x1xi32>
    %eq3A_102 = arith.cmpi eq, %get3A_42, %concatenate3A_101 : vector<1000x1xi32>
    %broadcast_in_dim3A_103 = arith.constant 0.000000e+00 : f32
    %broadcast_in_dim3A_104 = vector.broadcast %broadcast_in_dim3A_103 : f32 to vector<16x192xf32>
    %slice3A_105 = vector.extract_strided_slice %max3A_97 {offsets = [0, 0], sizes = [984, 192], strides = [1, 1]} : vector<1000x192xf32> to vector<984x192xf32>
    %concatenate3A_106 = tpu.concatenate %broadcast_in_dim3A_104, %slice3A_105 in 0 : vector<16x192xf32>, vector<984x192xf32> -> vector<1000x192xf32>
    %jit3A_107 = arith.constant 0.000000e+00 : f32
    %broadcast_in_dim3A_108 = vector.shape_cast %eq3A_102 : vector<1000x1xi1> to vector<1000x1xi1>
    %broadcast_in_dim3A_109 = vector.broadcast %broadcast_in_dim3A_108 : vector<1000x1xi1> to vector<1000x192xi1>
    %broadcast_in_dim3A_110 = vector.broadcast %jit3A_107 : f32 to vector<1000x192xf32>
    %select_n3A_111 = arith.select %broadcast_in_dim3A_109, %concatenate3A_106, %broadcast_in_dim3A_110 : vector<1000x192xi1>, vector<1000x192xf32>
    %max3A_112 = arith.maximumf %max3A_97, %select_n3A_111 : vector<1000x192xf32>
    %broadcast_in_dim3A_113 = arith.constant -1 : i32
    %broadcast_in_dim3A_114 = vector.broadcast %broadcast_in_dim3A_113 : i32 to vector<32x1xi32>
    %slice3A_115 = vector.extract_strided_slice %get3A_42 {offsets = [0, 0], sizes = [968, 1], strides = [1, 1]} : vector<1000x1xi32> to vector<968x1xi32>
    %concatenate3A_116 = tpu.concatenate %broadcast_in_dim3A_114, %slice3A_115 in 0 : vector<32x1xi32>, vector<968x1xi32> -> vector<1000x1xi32>
    %eq3A_117 = arith.cmpi eq, %get3A_42, %concatenate3A_116 : vector<1000x1xi32>
    %broadcast_in_dim3A_118 = arith.constant 0.000000e+00 : f32
    %broadcast_in_dim3A_119 = vector.broadcast %broadcast_in_dim3A_118 : f32 to vector<32x192xf32>
    %slice3A_120 = vector.extract_strided_slice %max3A_112 {offsets = [0, 0], sizes = [968, 192], strides = [1, 1]} : vector<1000x192xf32> to vector<968x192xf32>
    %concatenate3A_121 = tpu.concatenate %broadcast_in_dim3A_119, %slice3A_120 in 0 : vector<32x192xf32>, vector<968x192xf32> -> vector<1000x192xf32>
    %jit3A_122 = arith.constant 0.000000e+00 : f32
    %broadcast_in_dim3A_123 = vector.shape_cast %eq3A_117 : vector<1000x1xi1> to vector<1000x1xi1>
    %broadcast_in_dim3A_124 = vector.broadcast %broadcast_in_dim3A_123 : vector<1000x1xi1> to vector<1000x192xi1>
    %broadcast_in_dim3A_125 = vector.broadcast %jit3A_122 : f32 to vector<1000x192xf32>
    %select_n3A_126 = arith.select %broadcast_in_dim3A_124, %concatenate3A_121, %broadcast_in_dim3A_125 : vector<1000x192xi1>, vector<1000x192xf32>
    %max3A_127 = arith.maximumf %max3A_112, %select_n3A_126 : vector<1000x192xf32>
    %broadcast_in_dim3A_128 = arith.constant -1 : i32
    %broadcast_in_dim3A_129 = vector.broadcast %broadcast_in_dim3A_128 : i32 to vector<64x1xi32>
    %slice3A_130 = vector.extract_strided_slice %get3A_42 {offsets = [0, 0], sizes = [936, 1], strides = [1, 1]} : vector<1000x1xi32> to vector<936x1xi32>
    %concatenate3A_131 = tpu.concatenate %broadcast_in_dim3A_129, %slice3A_130 in 0 : vector<64x1xi32>, vector<936x1xi32> -> vector<1000x1xi32>
    %eq3A_132 = arith.cmpi eq, %get3A_42, %concatenate3A_131 : vector<1000x1xi32>
    %broadcast_in_dim3A_133 = arith.constant 0.000000e+00 : f32
    %broadcast_in_dim3A_134 = vector.broadcast %broadcast_in_dim3A_133 : f32 to vector<64x192xf32>
    %slice3A_135 = vector.extract_strided_slice %max3A_127 {offsets = [0, 0], sizes = [936, 192], strides = [1, 1]} : vector<1000x192xf32> to vector<936x192xf32>
    %concatenate3A_136 = tpu.concatenate %broadcast_in_dim3A_134, %slice3A_135 in 0 : vector<64x192xf32>, vector<936x192xf32> -> vector<1000x192xf32>
    %jit3A_137 = arith.constant 0.000000e+00 : f32
    %broadcast_in_dim3A_138 = vector.shape_cast %eq3A_132 : vector<1000x1xi1> to vector<1000x1xi1>
    %broadcast_in_dim3A_139 = vector.broadcast %broadcast_in_dim3A_138 : vector<1000x1xi1> to vector<1000x192xi1>
    %broadcast_in_dim3A_140 = vector.broadcast %jit3A_137 : f32 to vector<1000x192xf32>
    %select_n3A_141 = arith.select %broadcast_in_dim3A_139, %concatenate3A_136, %broadcast_in_dim3A_140 : vector<1000x192xi1>, vector<1000x192xf32>
    %max3A_142 = arith.maximumf %max3A_127, %select_n3A_141 : vector<1000x192xf32>
    %broadcast_in_dim3A_143 = arith.constant -1 : i32
    %broadcast_in_dim3A_144 = vector.broadcast %broadcast_in_dim3A_143 : i32 to vector<128x1xi32>
    %slice3A_145 = vector.extract_strided_slice %get3A_42 {offsets = [0, 0], sizes = [872, 1], strides = [1, 1]} : vector<1000x1xi32> to vector<872x1xi32>
    %concatenate3A_146 = tpu.concatenate %broadcast_in_dim3A_144, %slice3A_145 in 0 : vector<128x1xi32>, vector<872x1xi32> -> vector<1000x1xi32>
    %eq3A_147 = arith.cmpi eq, %get3A_42, %concatenate3A_146 : vector<1000x1xi32>
    %broadcast_in_dim3A_148 = arith.constant 0.000000e+00 : f32
    %broadcast_in_dim3A_149 = vector.broadcast %broadcast_in_dim3A_148 : f32 to vector<128x192xf32>
    %slice3A_150 = vector.extract_strided_slice %max3A_142 {offsets = [0, 0], sizes = [872, 192], strides = [1, 1]} : vector<1000x192xf32> to vector<872x192xf32>
    %concatenate3A_151 = tpu.concatenate %broadcast_in_dim3A_149, %slice3A_150 in 0 : vector<128x192xf32>, vector<872x192xf32> -> vector<1000x192xf32>
    %jit3A_152 = arith.constant 0.000000e+00 : f32
    %broadcast_in_dim3A_153 = vector.shape_cast %eq3A_147 : vector<1000x1xi1> to vector<1000x1xi1>
    %broadcast_in_dim3A_154 = vector.broadcast %broadcast_in_dim3A_153 : vector<1000x1xi1> to vector<1000x192xi1>
    %broadcast_in_dim3A_155 = vector.broadcast %jit3A_152 : f32 to vector<1000x192xf32>
    %select_n3A_156 = arith.select %broadcast_in_dim3A_154, %concatenate3A_151, %broadcast_in_dim3A_155 : vector<1000x192xi1>, vector<1000x192xf32>
    %max3A_157 = arith.maximumf %max3A_142, %select_n3A_156 : vector<1000x192xf32>
    %broadcast_in_dim3A_158 = arith.constant -1 : i32
    %broadcast_in_dim3A_159 = vector.broadcast %broadcast_in_dim3A_158 : i32 to vector<256x1xi32>
    %slice3A_160 = vector.extract_strided_slice %get3A_42 {offsets = [0, 0], sizes = [744, 1], strides = [1, 1]} : vector<1000x1xi32> to vector<744x1xi32>
    %concatenate3A_161 = tpu.concatenate %broadcast_in_dim3A_159, %slice3A_160 in 0 : vector<256x1xi32>, vector<744x1xi32> -> vector<1000x1xi32>
    %eq3A_162 = arith.cmpi eq, %get3A_42, %concatenate3A_161 : vector<1000x1xi32>
    %broadcast_in_dim3A_163 = arith.constant 0.000000e+00 : f32
    %broadcast_in_dim3A_164 = vector.broadcast %broadcast_in_dim3A_163 : f32 to vector<256x192xf32>
    %slice3A_165 = vector.extract_strided_slice %max3A_157 {offsets = [0, 0], sizes = [744, 192], strides = [1, 1]} : vector<1000x192xf32> to vector<744x192xf32>
    %concatenate3A_166 = tpu.concatenate %broadcast_in_dim3A_164, %slice3A_165 in 0 : vector<256x192xf32>, vector<744x192xf32> -> vector<1000x192xf32>
    %jit3A_167 = arith.constant 0.000000e+00 : f32
    %broadcast_in_dim3A_168 = vector.shape_cast %eq3A_162 : vector<1000x1xi1> to vector<1000x1xi1>
    %broadcast_in_dim3A_169 = vector.broadcast %broadcast_in_dim3A_168 : vector<1000x1xi1> to vector<1000x192xi1>
    %broadcast_in_dim3A_170 = vector.broadcast %jit3A_167 : f32 to vector<1000x192xf32>
    %select_n3A_171 = arith.select %broadcast_in_dim3A_169, %concatenate3A_166, %broadcast_in_dim3A_170 : vector<1000x192xi1>, vector<1000x192xf32>
    %max3A_172 = arith.maximumf %max3A_157, %select_n3A_171 : vector<1000x192xf32>
    %broadcast_in_dim3A_173 = arith.constant -1 : i32
    %broadcast_in_dim3A_174 = vector.broadcast %broadcast_in_dim3A_173 : i32 to vector<512x1xi32>
    %slice3A_175 = vector.extract_strided_slice %get3A_42 {offsets = [0, 0], sizes = [488, 1], strides = [1, 1]} : vector<1000x1xi32> to vector<488x1xi32>
    %concatenate3A_176 = tpu.concatenate %broadcast_in_dim3A_174, %slice3A_175 in 0 : vector<512x1xi32>, vector<488x1xi32> -> vector<1000x1xi32>
    %eq3A_177 = arith.cmpi eq, %get3A_42, %concatenate3A_176 : vector<1000x1xi32>
    %broadcast_in_dim3A_178 = arith.constant 0.000000e+00 : f32
    %broadcast_in_dim3A_179 = vector.broadcast %broadcast_in_dim3A_178 : f32 to vector<512x192xf32>
    %slice3A_180 = vector.extract_strided_slice %max3A_172 {offsets = [0, 0], sizes = [488, 192], strides = [1, 1]} : vector<1000x192xf32> to vector<488x192xf32>
    %concatenate3A_181 = tpu.concatenate %broadcast_in_dim3A_179, %slice3A_180 in 0 : vector<512x192xf32>, vector<488x192xf32> -> vector<1000x192xf32>
    %jit3A_182 = arith.constant 0.000000e+00 : f32
    %broadcast_in_dim3A_183 = vector.shape_cast %eq3A_177 : vector<1000x1xi1> to vector<1000x1xi1>
    %broadcast_in_dim3A_184 = vector.broadcast %broadcast_in_dim3A_183 : vector<1000x1xi1> to vector<1000x192xi1>
    %broadcast_in_dim3A_185 = vector.broadcast %jit3A_182 : f32 to vector<1000x192xf32>
    %select_n3A_186 = arith.select %broadcast_in_dim3A_184, %concatenate3A_181, %broadcast_in_dim3A_185 : vector<1000x192xi1>, vector<1000x192xf32>
    %max3A_187 = arith.maximumf %max3A_172, %select_n3A_186 : vector<1000x192xf32>
    %iota3A = tpu.iota {dimensions = array<i32: 0>} : vector<100x1000xi32>
    %eq3A_188 = vector.broadcast %get3A_39 : vector<1x1000xi32> to vector<100x1000xi32>
    %eq3A_189 = arith.cmpi eq, %eq3A_188, %iota3A : vector<100x1000xi32>
    %convert_element_type3A_190 = arith.extui %eq3A_189 : vector<100x1000xi1> to vector<100x1000xi32>
    %convert_element_type3A_191 = arith.sitofp %convert_element_type3A_190 : vector<100x1000xi32> to vector<100x1000xf32>
    %slice3A_192 = vector.extract_strided_slice %get3A_39 {offsets = [0, 1], sizes = [1, 999], strides = [1, 1]} : vector<1x1000xi32> to vector<1x999xi32>
    %slice3A_193 = vector.extract_strided_slice %get3A_39 {offsets = [0, 0], sizes = [1, 999], strides = [1, 1]} : vector<1x1000xi32> to vector<1x999xi32>
    %ne3A = arith.cmpi ne, %slice3A_192, %slice3A_193 : vector<1x999xi32>
    %convert_element_type3A_194 = arith.extui %ne3A : vector<1x999xi1> to vector<1x999xi32>
    %convert_element_type3A_195 = arith.sitofp %convert_element_type3A_194 : vector<1x999xi32> to vector<1x999xf32>
    %broadcast_in_dim3A_196 = arith.constant 1.000000e+00 : f32
    %broadcast_in_dim3A_197 = vector.broadcast %broadcast_in_dim3A_196 : f32 to vector<1x1xf32>
    %concatenate3A_198 = tpu.concatenate %convert_element_type3A_195, %broadcast_in_dim3A_197 in 1 : vector<1x999xf32>, vector<1x1xf32> -> vector<1x1000xf32>
    %mul3A_199 = vector.broadcast %concatenate3A_198 : vector<1x1000xf32> to vector<100x1000xf32>
    %mul3A_200 = arith.mulf %convert_element_type3A_191, %mul3A_199 : vector<100x1000xf32>
    %get3A_201 = arith.constant 0 : index
    %get3A_202 = arith.constant 0 : index
    %get3A_203 = vector.load %arg11[%get3A_201, %get3A_202] : memref<100x128xf32, #tpu.memory_space<vmem>>, vector<100x128xf32>
    %reduce_sum3A = arith.constant dense<0.000000e+00> : vector<100xf32>
    %reduce_sum3A_204 = vector.multi_reduction <add>, %convert_element_type3A_191, %reduce_sum3A [1] : vector<100x1000xf32> to vector<100xf32>
    %broadcast_in_dim3A_205 = vector.shape_cast %reduce_sum3A_204 : vector<100xf32> to vector<100x1xf32>
    %broadcast_in_dim3A_206 = arith.constant 1.000000e+00 : f32
    %broadcast_in_dim3A_207 = vector.broadcast %broadcast_in_dim3A_206 : f32 to vector<1x128xf32>
    %mul3A_208 = vector.broadcast %broadcast_in_dim3A_205 : vector<100x1xf32> to vector<100x128xf32>
    %mul3A_209 = vector.broadcast %broadcast_in_dim3A_207 : vector<1x128xf32> to vector<100x128xf32>
    %mul3A_210 = arith.mulf %mul3A_208, %mul3A_209 : vector<100x128xf32>
    %add3A_211 = arith.addf %get3A_203, %mul3A_210 : vector<100x128xf32>
    %swap3A = arith.constant 0 : index
    %swap3A_212 = arith.constant 0 : index
    %swap3A_213 = vector.load %arg11[%swap3A, %swap3A_212] : memref<100x128xf32, #tpu.memory_space<vmem>>, vector<100x128xf32>
    tpu.vector_store %arg11[%swap3A, %swap3A_212], %add3A_211 {strides = array<i32>} : memref<100x128xf32, #tpu.memory_space<vmem>>, vector<100x128xf32>,
    %get3A_214 = arith.constant 0 : index
    %get3A_215 = arith.constant 0 : index
    %get3A_216 = vector.load %arg9[%get3A_214, %get3A_215] : memref<100x192xf32, #tpu.memory_space<vmem>>, vector<100x192xf32>
    %dot_general3A = arith.constant dense<0.000000e+00> : vector<100x192xf32>
    %dot_general3A_217 = tpu.matmul %convert_element_type3A_191, %concatenate3A, %dot_general3A {dimension_numbers = #tpu.dot_dimension_numbers<[1], [0], [0], [1], [0, 0, 1, 1], [], []>, transpose_lhs_hint = false} : vector<100x1000xf32>, vector<1000x192xf32>, vector<100x192xf32> -> vector<100x192xf32>
    %add3A_218 = arith.addf %get3A_216, %dot_general3A_217 : vector<100x192xf32>
    %swap3A_219 = arith.constant 0 : index
    %swap3A_220 = arith.constant 0 : index
    %swap3A_221 = vector.load %arg9[%swap3A_219, %swap3A_220] : memref<100x192xf32, #tpu.memory_space<vmem>>, vector<100x192xf32>
    tpu.vector_store %arg9[%swap3A_219, %swap3A_220], %add3A_218 {strides = array<i32>} : memref<100x192xf32, #tpu.memory_space<vmem>>, vector<100x192xf32>,
    %get3A_222 = arith.constant 0 : index
    %get3A_223 = arith.constant 0 : index
    %get3A_224 = vector.load %arg10[%get3A_222, %get3A_223] : memref<100x192xf32, #tpu.memory_space<vmem>>, vector<100x192xf32>
    %dot_general3A_225 = arith.constant dense<0.000000e+00> : vector<100x192xf32>
    %dot_general3A_226 = tpu.matmul %mul3A_200, %max3A_187, %dot_general3A_225 {dimension_numbers = #tpu.dot_dimension_numbers<[1], [0], [0], [1], [0, 0, 1, 1], [], []>, transpose_lhs_hint = false} : vector<100x1000xf32>, vector<1000x192xf32>, vector<100x192xf32> -> vector<100x192xf32>
    %max3A_227 = arith.maximumf %get3A_224, %dot_general3A_226 : vector<100x192xf32>
    %swap3A_228 = arith.constant 0 : index
    %swap3A_229 = arith.constant 0 : index
    %swap3A_230 = vector.load %arg10[%swap3A_228, %swap3A_229] : memref<100x192xf32, #tpu.memory_space<vmem>>, vector<100x192xf32>
    tpu.vector_store %arg10[%swap3A_228, %swap3A_229], %max3A_227 {strides = array<i32>} : memref<100x192xf32, #tpu.memory_space<vmem>>, vector<100x192xf32>,
    return
  }
  func.func @transform_0(%arg0: i32) -> (i32, i32) {
    %c0_i32 = arith.constant 0 : i32
    %c0_i32_0 = arith.constant 0 : i32
    return %arg0, %c0_i32 : i32, i32
  }
  func.func @transform_1(%arg0: i32) -> (i32, i32) {
    %c0_i32 = arith.constant 0 : i32
    %c0_i32_0 = arith.constant 0 : i32
    return %arg0, %c0_i32 : i32, i32
  }
  func.func @transform_2(%arg0: i32) -> (i32, i32) {
    %c0_i32 = arith.constant 0 : i32
    %c0_i32_0 = arith.constant 0 : i32
    return %arg0, %c0_i32 : i32, i32
  }
  func.func @transform_3(%arg0: i32) -> (i32, i32, i32) {
    %c0_i32 = arith.constant 0 : i32
    %c0_i32_0 = arith.constant 0 : i32
    %c0_i32_1 = arith.constant 0 : i32
    return %c0_i32, %arg0, %c0_i32_0 : i32, i32, i32
  }
  func.func @transform_4(%arg0: i32) -> (i32, i32, i32) {
    %c1_i32 = arith.constant 1 : i32
    %c0_i32 = arith.constant 0 : i32
    %c0_i32_0 = arith.constant 0 : i32
    return %c1_i32, %arg0, %c0_i32 : i32, i32, i32
  }
  func.func @transform_5(%arg0: i32) -> (i32, i32) {
    %c0_i32 = arith.constant 0 : i32
    %c0_i32_0 = arith.constant 0 : i32
    %c0_i32_1 = arith.constant 0 : i32
    return %c0_i32, %c0_i32_0 : i32, i32
  }
  func.func @transform_6(%arg0: i32) -> (i32, i32, i32) {
    %c0_i32 = arith.constant 0 : i32
    %c0_i32_0 = arith.constant 0 : i32
    %c0_i32_1 = arith.constant 0 : i32
    return %arg0, %c0_i32, %c0_i32_0 : i32, i32, i32
  }
  func.func @transform_7(%arg0: i32) -> (i32, i32) {
    %c0_i32 = arith.constant 0 : i32
    %c0_i32_0 = arith.constant 0 : i32
    return %arg0, %c0_i32 : i32, i32
  }
  func.func @transform_8(%arg0: i32) -> (i32, i32) {
    %c0_i32 = arith.constant 0 : i32
    %c0_i32_0 = arith.constant 0 : i32
    %c0_i32_1 = arith.constant 0 : i32
    return %c0_i32, %c0_i32_0 : i32, i32
  }
  func.func @transform_9(%arg0: i32) -> (i32, i32) {
    %c0_i32 = arith.constant 0 : i32
    %c0_i32_0 = arith.constant 0 : i32
    %c0_i32_1 = arith.constant 0 : i32
    return %c0_i32, %c0_i32_0 : i32, i32
  }
  func.func @transform_10(%arg0: i32) -> (i32, i32) {
    %c0_i32 = arith.constant 0 : i32
    %c0_i32_0 = arith.constant 0 : i32
    %c0_i32_1 = arith.constant 0 : i32
    return %c0_i32, %c0_i32_0 : i32, i32
  }
}

module attributes {stable_mosaic.version = 14 : i64} {
  func.func @_head_body(%arg0: memref<100x192xf32, #tpu.memory_space<vmem>>, %arg1: memref<100x192xf32, #tpu.memory_space<vmem>>, %arg2: memref<100x128xf32, #tpu.memory_space<vmem>>, %arg3: memref<1152x10xf32, #tpu.memory_space<vmem>>, %arg4: memref<1x10xf32, #tpu.memory_space<vmem>>, %arg5: memref<100x10xf32, #tpu.memory_space<vmem>>) attributes {dimension_semantics = [], scalar_prefetch = 0 : i64, scratch_operands = 0 : i64, tpu.core_type = #tpu.core_type<tc>} {
    %get3A = arith.constant 0 : index
    %get3A_0 = arith.constant 0 : index
    %get3A_1 = vector.load %arg0[%get3A, %get3A_0] : memref<100x192xf32, #tpu.memory_space<vmem>>, vector<100x192xf32>
    %get3A_2 = arith.constant 0 : index
    %get3A_3 = arith.constant 0 : index
    %get3A_4 = vector.load %arg2[%get3A_2, %get3A_3] : memref<100x128xf32, #tpu.memory_space<vmem>>, vector<100x1xf32>
    %max3A = arith.constant 1.000000e+00 : f32
    %max3A_5 = vector.broadcast %max3A : f32 to vector<100x1xf32>
    %max3A_6 = arith.maximumf %get3A_4, %max3A_5 : vector<100x1xf32>
    %div3A = vector.broadcast %max3A_6 : vector<100x1xf32> to vector<100x192xf32>
    %div3A_7 = arith.divf %get3A_1, %div3A : vector<100x192xf32>
    %get3A_8 = arith.constant 0 : index
    %get3A_9 = arith.constant 0 : index
    %get3A_10 = vector.load %arg1[%get3A_8, %get3A_9] : memref<100x192xf32, #tpu.memory_space<vmem>>, vector<100x192xf32>
    %concatenate3A = tpu.concatenate %div3A_7, %get3A_10, %get3A_1 in 1 : vector<100x192xf32>, vector<100x192xf32>, vector<100x192xf32> -> vector<100x576xf32>
    %sub3A = arith.constant 1.000000e+00 : f32
    %sub3A_11 = vector.broadcast %sub3A : f32 to vector<100x576xf32>
    %sub3A_12 = arith.subf %sub3A_11, %concatenate3A : vector<100x576xf32>
    %concatenate3A_13 = tpu.concatenate %concatenate3A, %sub3A_12 in 1 : vector<100x576xf32>, vector<100x576xf32> -> vector<100x1152xf32>
    %get3A_14 = arith.constant 0 : index
    %get3A_15 = arith.constant 0 : index
    %get3A_16 = vector.load %arg3[%get3A_14, %get3A_15] : memref<1152x10xf32, #tpu.memory_space<vmem>>, vector<1152x10xf32>
    %dot_general3A = arith.constant dense<0.000000e+00> : vector<100x10xf32>
    %dot_general3A_17 = tpu.matmul %concatenate3A_13, %get3A_16, %dot_general3A {dimension_numbers = #tpu.dot_dimension_numbers<[1], [0], [0], [1], [0, 0, 1, 1], [], []>, transpose_lhs_hint = false} : vector<100x1152xf32>, vector<1152x10xf32>, vector<100x10xf32> -> vector<100x10xf32>
    %get3A_18 = arith.constant 0 : index
    %get3A_19 = arith.constant 0 : index
    %get3A_20 = vector.load %arg4[%get3A_18, %get3A_19] : memref<1x10xf32, #tpu.memory_space<vmem>>, vector<1x10xf32>
    %add3A = vector.broadcast %get3A_20 : vector<1x10xf32> to vector<100x10xf32>
    %add3A_21 = arith.addf %dot_general3A_17, %add3A : vector<100x10xf32>
    %neg3A = arith.constant 0.000000e+00 : f32
    %neg3A_22 = vector.broadcast %neg3A : f32 to vector<100x10xf32>
    %neg3A_23 = arith.subf %neg3A_22, %add3A_21 : vector<100x10xf32>
    %exp3A = math.exp %neg3A_23 : vector<100x10xf32>
    %add3A_24 = arith.constant 1.000000e+00 : f32
    %add3A_25 = vector.broadcast %add3A_24 : f32 to vector<100x10xf32>
    %add3A_26 = arith.addf %add3A_25, %exp3A : vector<100x10xf32>
    %div3A_27 = arith.constant 1.000000e+00 : f32
    %div3A_28 = vector.broadcast %div3A_27 : f32 to vector<100x10xf32>
    %div3A_29 = arith.divf %div3A_28, %add3A_26 : vector<100x10xf32>
    %swap3A = arith.constant 0 : index
    %swap3A_30 = arith.constant 0 : index
    %swap3A_31 = vector.load %arg5[%swap3A, %swap3A_30] : memref<100x10xf32, #tpu.memory_space<vmem>>, vector<100x10xf32>
    tpu.vector_store %arg5[%swap3A, %swap3A_30], %div3A_29 {strides = array<i32>} : memref<100x10xf32, #tpu.memory_space<vmem>>, vector<100x10xf32>,
    return
  }
}

</mosaic_0001>

<sc_bundles>
// kernel: kernel.10.cloned.1.call-start
scs
__scs_entry_jumppad:
0x0: {  	(pc) =	sbr.rel $0x88, $3  }
0x1: {  	(tag) =	ssettag $0x0;
	lr =	simm.s32 $0x1  }
0x2: {  	[smem:$0x3F96] =	sst lr;
	_ =	strace $0xD0000000  }
0x3: {  	_ = 	snop  }
0x4: {  	_ = 	snop  }
0x5: {  	_ = 	snop  }
0x6: {  	_ = 	snop  }
0x7: {  	_ = 	snop  }
__scs_overlays_trampoline_lowered:
0x8: {  	[smem:$0x3FA5] =	sst s0  }
0x9: {  	[smem:$0x3FA6] =	sst s1  }
0xa: {  	[smem:$0x3FA7] =	sst s2  }
0xb: {  	[smem:$0x3FA8] =	sst s3  }
0xc: {  	[smem:$0x3FA9] =	sst s4  }
0xd: {  	[smem:$0x3FAA] =	sst s5  }
0xe: {  	[smem:$0x3FAB] =	sst s6  }
0xf: {  	[smem:$0x3FAC] =	sst s7  }
0x10: {  	[smem:$0x3FAD] =	sst s8  }
0x11: {  	[smem:$0x3FAE] =	sst s9;
	s0 =	simm.s32 @!p0 $0x0  }
0x12: {  	s1 =	sld [smem:$0x3F94];
	s0 =	simm.s32 @p0 $0x1  }
0x13: {  	[smem:$0x3FAF] =	sst s0;
	s0 =	simm.s32 @!p1 $0x0  }
0x14: {  	s2 =	sld [smem:$0x3F93];
	s0 =	simm.s32 @p1 $0x1  }
0x15: {  	[smem:$0x3FB0] =	sst s0;
	s0 =	simm.s32 @!p2 $0x0  }
0x16: {  	s3 =	sld [smem:$0x3FDB];
	s0 =	simm.s32 @p2 $0x1  }
0x17: {  	s4 =	simm.s32 $0x1BF5;
	[smem:$0x3FB2] =	sst s0  }
0x18: {  	s0 =	sld [smem:$0x3F95];
	_ =	swait.ge [sflag:s4], $0x0  }
0x19: {  	s7 =	sld [smem:$0x3F96]  }
0x1a: {  	s8 =	sadd.s32 $0xFFFFE003, lr  }
0x1b: {  	s9 =	sadd.s32 $0xFFFFFEF7, lr;
	s5 =	simm.s32 $0xFFFFFFFF;
	p2 =	slt.u32 s8, $0xFFFFF086  }
0x1c: {  	p1 =	slt.u32 s9, $0xF7A;
	s5 =	simm.s32 @!p2 $0x0  }
0x1d: {  	s5 =	simm.s32 @p1 $0x1;
	p0 =	seq.s32 s7, s2  }
0x1e: {  	s7 =	smul.u32 @!p0 $0xF7A, s2;
	p2 =	seq.s32 @!p0 s5, $0x0  }
0x1f: {  	s9 =	smul.u32 $0xF7A, s1;
	s8 =	simm.s32 @!p0 $0x1BF5;
	p2 =	por !p2, p0  }
0x20: {  	[sflag:s8] =	ssyncset.s32 @!p0 $0xFFFFF086;
	s6 =	sadd.s32 @!p0 s3, s7;
	s7 =	simm.s32 @!p0 $0x108  }
0x21: {  	s3 =	sadd.s32 s3, s9;
	s6 =	sadd.s32 @!p0 $0x88, s6;
	s7 =	simm.s32 @p2 $0x1082  }
0x22: {  	[simem:s7], [sflag:s8] =	dma.local @!p0 [hbm:s6], $0xF7A  }
0x23: {  	s9 =	sor.u32 $0xD0000000, s2;
	s6 =	simm.s32 $0x108;
	_ =	swait.ge @!p0 [sflag:s8], $0x0  }
0x24: {  	s3 =	sadd.s32 $0x88, s3;
	s6 =	simm.s32 @!p1 $0x1082;
	[sflag:s4] =	ssyncset.s32 $0xFFFFF086  }
0x25: {  	[simem:s6], [sflag:s4] =	dma.local [hbm:s3], $0xF7A  }
0x26: {  	[smem:$0x3F96] =	sst s1;
	(tag) =	ssettag s2;
	_ =	strace s9  }
0x27: {  	s1 =	sld [smem:$0x3FA6]  }
0x28: {  	s2 =	sld [smem:$0x3FA7]  }
0x29: {  	s4 =	sld [smem:$0x3FA9]  }
0x2a: {  	p0 =	seq.s32 s5, $0x0;
	s5 =	sld [smem:$0x3FAA]  }
0x2b: {  	s6 =	sld [smem:$0x3FAB]  }
0x2c: {  	s7 =	sld [smem:$0x3FAC]  }
0x2d: {  	s3 =	simm.s32 $0x108;
	s8 =	sld [smem:$0x3FAD]  }
0x2e: {  	s3 =	simm.s32 @!p0 $0x1082;
	s9 =	sld [smem:$0x3FAE]  }
0x2f: {  	lr =	sadd.s32 s0, s3;
	s0 =	sld [smem:$0x3FA5]  }
0x30: {  	s3 =	sld [smem:$0x3FA8]  }
0x31: {  	[smem:$0x3FB1] =	sst s10  }
0x32: {  	s10 =	sld [smem:$0x3FAF];
	_ =	sdelay $0x3  }
0x33: {  	p0 =	seq.s32 s10, $0x1;
	s10 =	sld [smem:$0x3FB1];
	_ =	sdelay $0x3  }
0x34: {  	[smem:$0x3FB1] =	sst s10  }
0x35: {  	s10 =	sld [smem:$0x3FB0];
	_ =	sdelay $0x3  }
0x36: {  	p1 =	seq.s32 s10, $0x1;
	s10 =	sld [smem:$0x3FB1];
	_ =	sdelay $0x3  }
0x37: {  	[smem:$0x3FB1] =	sst s10  }
0x38: {  	s10 =	sld [smem:$0x3FB2]  }
0x39: {  	_ = 	snop;
	(pc) =	sbr.ind lr, $3  }
0x3a: {  	_ = 	snop  }
0x3b: {  	_ = 	snop  }
0x3c: {  	p2 =	seq.s32 s10, $0x1;
	s10 =	sld [smem:$0x3FB1]  }
0x3d: {  	_ =	shalt  }
0x3e: {  	_ =	shalt  }
0x3f: {  	_ =	shalt  }
0x40: {  	_ =	shalt  }
0x41: {  	_ =	shalt  }
0x42: {  	_ =	shalt  }
0x43: {  	_ =	shalt  }
0x44: {  	_ =	shalt  }
0x45: {  	_ =	shalt  }
0x46: {  	_ =	shalt  }
0x47: {  	_ =	shalt  }
0x48: {  	_ =	shalt  }
0x49: {  	_ =	shalt  }
0x4a: {  	_ =	shalt  }
0x4b: {  	_ =	shalt  }
0x4c: {  	_ =	shalt  }
0x4d: {  	_ =	shalt  }
0x4e: {  	_ =	shalt  }
0x4f: {  	_ =	shalt  }
0x50: {  	_ =	shalt  }
0x51: {  	_ =	shalt  }
0x52: {  	_ =	shalt  }
0x53: {  	_ =	shalt  }
0x54: {  	_ =	shalt  }
0x55: {  	_ =	shalt  }
0x56: {  	_ =	shalt  }
0x57: {  	_ =	shalt  }
0x58: {  	_ =	shalt  }
0x59: {  	_ =	shalt  }
0x5a: {  	_ =	shalt  }
0x5b: {  	_ =	shalt  }
0x5c: {  	_ =	shalt  }
0x5d: {  	_ =	shalt  }
0x5e: {  	_ =	shalt  }
0x5f: {  	_ =	shalt  }
0x60: {  	_ =	shalt  }
0x61: {  	_ =	shalt  }
0x62: {  	_ =	shalt  }
0x63: {  	_ =	shalt  }
0x64: {  	_ =	shalt  }
0x65: {  	_ =	shalt  }
0x66: {  	_ =	shalt  }
0x67: {  	_ =	shalt  }
0x68: {  	_ =	shalt  }
0x69: {  	_ =	shalt  }
0x6a: {  	_ =	shalt  }
0x6b: {  	_ =	shalt  }
0x6c: {  	_ =	shalt  }
0x6d: {  	_ =	shalt  }
0x6e: {  	_ =	shalt  }
0x6f: {  	_ =	shalt  }
0x70: {  	_ =	shalt  }
0x71: {  	_ =	shalt  }
0x72: {  	_ =	shalt  }
0x73: {  	_ =	shalt  }
0x74: {  	_ =	shalt  }
0x75: {  	_ =	shalt  }
0x76: {  	_ =	shalt  }
0x77: {  	_ =	shalt  }
0x78: {  	_ =	shalt  }
0x79: {  	_ =	shalt  }
0x7a: {  	_ =	shalt  }
0x7b: {  	_ =	shalt  }
0x7c: {  	_ =	shalt  }
0x7d: {  	_ =	shalt  }
0x7e: {  	_ =	shalt  }
0x7f: {  	_ =	shalt  }
0x80: {  	_ =	shalt  }
0x81: {  	_ =	shalt  }
0x82: {  	_ =	shalt  }
0x83: {  	_ =	shalt  }
0x84: {  	_ =	shalt  }
0x85: {  	_ =	shalt  }
0x86: {  	_ =	shalt  }
0x87: {  	_ =	shalt  }
.Lfunc_end0:
.L_simem_size_0:
called_computation_lowered:
.L_overlay_start_0:
0x88: {  	s2 =	sld [smem:$0x3FD9]  }
0x89: {  	s3 =	sld [smem:$0x3FFE];
	_ =	sdelay $0x1  }
0x8a: {  	s1 =	srdreg.scid  }
0x8b: {  	s0 =	sand.u32 $0x1, s1  }
0x8c: {  	s16 =	sshll.u32 s0, $0xA;
	s2 =	sadd.s32 s3, s2  }
0x8d: {  	s2 =	sadd.s32 s2, s16  }
0x8e: {  	[smem:$0x3FBD] =	sst s2  }
0x8f: {  	_ = 	snop  }
0x90: {  	(tm) =	ssettm $0x1  }
0x91: {  	s17 =	sld [smem:$0x3FFB];
	_ =	sdelay $0x3  }
0x92: {  	_ =	strace s17  }
0x93: {  	s2 =	sld [smem:$0x3FFC];
	_ =	sdelay $0x3  }
0x94: {  	_ =	strace s2  }
0x95: {  	s2 =	sld [smem:$0x3FFD];
	_ =	sdelay $0x3  }
0x96: {  	_ =	strace s2  }
0x97: {  	_ =	strace $0x8FFFFFFF  }
0x98: {  	s18 =	sld [smem:$0x3FDB];
	_ =	sdelay $0x1  }
0x99: {  	s19 =	simm.s32 $_scs_section_size  }
0x9a: {  	s4 =	simm.s32 $_size__tile_overlayer_lowered;
	s5 =	simm.s32 $_tile_overlayer_lowered  }
0x9b: {  	s22 =	simm.s32 $0x1BFF;
	s21 =	sshll.u32 s5, $0x1;
	s2 =	sadd.s32 s19, s18  }
0x9c: {  	s6 =	simm.s32 $0x0;
	s20 =	sshll.u32 s4, $0x1;
	s4 =	sadd.s32 s21, s2  }
0x9d: {  	[timem:s6], [sflag:s22] =	dma.local [hbm:s4], s20  }
0x9e: {  	_ =	swait.ge [sflag:s22], s20  }
0x9f: {  	s3 =	ssub.s32 $0x0, s20;
	[sflag:s22] =	ssyncset.done $0x0  }
0xa0: {  	[sflag:s22] =	ssyncadd.s32 s3;
	_ =	sdelay $0x1  }
0xa1: {  	s23 =	simm.s32 $0x1B8B  }
0xa2: {  	_ =	swait.ge [sflag:s23], $0x1  }
0xa3: {  	[sflag:s23] =	ssyncset.done $0x0  }
0xa4: {  	s25 =	simm.s32 $0x1B8E;
	s24 =	sld [smem:$0x3FFE];
	[sflag:s23] =	ssyncadd.s32 $0xFFFFFFFF  }
0xa5: {  	s26 =	simm.s32 $execute0_lowered;
	[smem:$0x3FD2] =	sst s25  }
0xa6: {  	s4 =	sshll.u32 s26, $0x1;
	_ =	strace $0x80000046;
	[dreg:$0x1] =	wrdreg $0xFFFFFFFF  }
0xa7: {  	s28 =	simm.s32 $_size_execute0_lowered;
	s2 =	sadd.s32 s2, s4;
	[dreg:$0x0] =	wrdreg $0x0  }
0xa8: {  	s4 =	sshll.u32 s28, $0x1;
	[dreg:$0x2] =	wrdreg s2  }
0xa9: {  	[dreg:$0x3] =	wrdreg s4  }
0xaa: {  	[dreg:$0x4] =	wrdreg $0xC0  }
0xab: {  	_ =	task [dreg:s6], $0x5FFFF  }
0xac: {  	[dreg:$0x1] =	wrdreg $0xFFFFFFFF  }
0xad: {  	[dreg:$0x0] =	wrdreg $0x60  }
0xae: {  	[dreg:$0x2] =	wrdreg s24  }
0xaf: {  	[dreg:$0x3] =	wrdreg $0x8F000  }
0xb0: {  	[dreg:$0x4] =	wrdreg $0x9  }
0xb1: {  	_ =	task.clear_ibuf [dreg:s6], $0x5FFFF;
	_ =	strace $0x90000046  }
0xb2: {  	s29 =	simm.s32 $0x9;
	_ =	strace $0x80000048  }
0xb3: {  	_ =	swait.ge [sflag:s29], $0x1  }
0xb4: {  	[sflag:s29] =	ssyncadd.s32 $0xFFFFFFFF  }
0xb5: {  	_ =	strace $0x90000048  }
0xb6: {  	_ =	sfence  }
0xb7: {  	s30 =	sld [smem:$0x0];
	_ =	sdelay $0x2  }
0xb8: {  	s31 =	sshll.u32 s1, $0xD;
	s1 =	sshrl.u32 s1, $0x2  }
0xb9: {  	s3 =	sand.u32 $0x4000, s31;
	s1 =	sadd.s32 s1, s30  }
0xba: {  	s0 =	sor.u32 s3, s0;
	s1 =	sshll.u32 s1, $0x11  }
0xbb: {  	s0 =	sor.u32 s1, s0  }
0xbc: {  	s0 =	sadd.s32 $0x8F2B, s0  }
0xbd: {  	[sflag:s0] =	ssyncadd.remote.s32 $0x1  }
0xbe: {  	_ =	sfence.sel $0xFFFF  }
0xbf: {  	[dreg:$0x0] =	wrdreg $0xFFFFFFFF;
	(pc) =	sbr.abs _section_cstart, $3  }
0xc0: {  	[dreg:$0x1] =	wrdreg $0xFFFFFFFF  }
0xc1: {  	_ =	task.clear_ibuf [dreg:s6], $0x2FFFF;
	_ =	strace $0x9FFFFFFF  }
0xc2: {  	(tm) =	ssettm $0x7FFFFFFF  }
0xc3: {  	_ =	shalt  }
tec
execute0_lowered:
.L_overlay_start_1:
0x0: {  	(tag) =	ssettag $0x1  }
0x1: {  	s6 =	rddreg [dreg:$0x0]  }
0x2: {  	s0 =	srdreg.scid;
	s2 =	rddreg [dreg:$0x1]  }
0x3: {  	s3 =	simm.s32 $0x0;
	s14 =	simm.s32 $0x80;
	s15 =	simm.s32 $0x4F00  }
0x4: {  	s16 =	simm.s32 $0x6F00;
	s17 =	simm.s32 $0x1;
	s18 =	simm.s32 $0x2  }
0x5: {  	s19 =	simm.s32 $0x4E80;
	s5 =	sand.u32 $0x1, s0;
	s0 =	stileid.u32  }
0x6: {  	s20 =	simm.s32 $0x0;
	[smem:$0x7FF] =	sst s3;
	s8 =	smul.u32 $0xA000, s0  }
0x7: {  	s4 =	sadd.s32 $0x1E00, s6;
	s1 =	sshll.u32 s5, $0x4;
	s9 =	smul.u32 $0xA0000, s5  }
0x8: {  	s5 =	ssub.s32 $0x2, s5;
	s31 =	sshll.u32 s0, $0x6;
	s1 =	sor.u32 s0, s1  }
0x9: {  	s11 =	sshrl.u32 s5, $0x1;
	s7 =	smul.u32 $0x4F0, s1;
	s1 =	rddreg [dreg:$0x2]  }
0xa: {  	_ =	strace $0x80000047;
	s29 =	sadd.s32 s8, s9;
	s30 =	sshrl.u32 s8, $0x3  }
0xb: {  	s11 =	ssub.s32 s5, s11;
	s13 =	sadd.s32 s8, s2;
	s9 =	sadd.s32 s30, s6  }
0xc: {  	s10 =	sadd.s32 s7, s6;
	s7 =	sshrl.u32 s29, $0x3;
	s5 =	sadd.s32 $0x29A00, s9  }
0xd: {  	s12 =	sadd.s32 s7, s6;
	s6 =	sor.u32 $0x1C03, s31;
	s7 =	sadd.s32 $0x15E00, s10  }
0xe: {  	s8 =	sadd.s32 $0x1FC00, s10;
	s10 =	smax.u32 s11, $0x1;
	s11 =	sshrl.u32 s13, $0x3  }
0xf: {  	s13 =	simm.s32 $0x2780;
	s9 =	sadd.s32 $0x3DA00, s12;
	s12 =	simm.s32 $0x3  }
.LBB2_1:
0x10: {  	[spmem:s11], [sflag:s6] =	dma.local [hbm:s5], $0x1400  }
0x11: {  	_ =	swait.ge [sflag:s12], $0x1400  }
0x12: {  	[sflag:s12] =	ssyncset.done $0x0  }
0x13: {  	[sflag:s12] =	ssyncadd.s32 $0xFFFFEC00  }
0x14: {  	[tilespmem:s3], [sflag:$0x3] =	stream.linear.gather [hbm4b:s7+s3], $0x2780, $0x38;
	[tilespmem:$0x12F00] =	vst v63  }
0x15: {  	_ =	swait.ge [sflag:s12], $0x2780  }
0x16: {  	[sflag:s12] =	ssyncset.done $0x0  }
0x17: {  	[sflag:s12] =	ssyncadd.s32 $0xFFFFD880  }
0x18: {  	[tilespmem:s13], [sflag:$0x3] =	stream.linear.gather [hbm4b:s8+s3], $0x2780, $0x38;
	[tilespmem:$0x12F00] =	vst v63  }
0x19: {  	_ =	swait.ge [sflag:s12], $0x2780  }
0x1a: {  	[sflag:s12] =	ssyncset.done $0x0  }
0x1b: {  	[sflag:s12] =	ssyncadd.s32 $0xFFFFD880  }
0x1c: {  	[bflag:$0x0] =	sbarrier.arrive $0xFFFF  }
0x1d: {  	[tilespmem:s15], [sflag:$0x1] =	stream.indirect.gather [hbm4b:s4+s14], $0x40, s3, s14, $0xb8;
	[tilespmem:$0x12F00] =	vst v63  }
0x1e: {  	s21 =	simm.s32 $0x80  }
0x1f: {  	[tilespmem:s16], [sflag:$0x2] =	stream.indirect.gather [hbm4b:s4+s14], $0x40, s21, s14, $0xb8;
	[tilespmem:$0x12F00] =	vst v63  }
0x20: {  	_ =	swait.ge [sflag:s17], $0x2000  }
0x21: {  	[sflag:s17] =	ssyncset.done $0x0  }
0x22: {  	s29 =	simm.s32 $0x2780;
	[sflag:s17] =	ssyncadd.s32 $0xFFFFE000  }
0x23: {  	[spmem:s2] =	stream.indirect.scatter.add.f32 [tilespmem:s15], [sflag:$0x3], $0x40, s29, s14, $0xb8;
	[tilespmem:$0x12F00] =	vst v63  }
0x24: {  	_ =	swait.ge [sflag:s12], $0x2000  }
0x25: {  	[sflag:s12] =	ssyncset.done $0x0  }
0x26: {  	s30 =	simm.s32 $0x100;
	[sflag:s12] =	ssyncadd.s32 $0xFFFFE000  }
0x27: {  	[tilespmem:s15], [sflag:$0x1] =	stream.indirect.gather [hbm4b:s4+s14], $0x40, s30, s14, $0xb8;
	[tilespmem:$0x12F00] =	vst v63  }
0x28: {  	_ =	swait.ge [sflag:s18], $0x2000  }
0x29: {  	[sflag:s18] =	ssyncset.done $0x0  }
0x2a: {  	s31 =	simm.s32 $0x2800;
	[sflag:s18] =	ssyncadd.s32 $0xFFFFE000  }
0x2b: {  	[spmem:s2] =	stream.indirect.scatter.add.f32 [tilespmem:s16], [sflag:$0x3], $0x40, s31, s14, $0xb8;
	[tilespmem:$0x12F00] =	vst v63  }
0x2c: {  	_ =	swait.ge [sflag:s12], $0x2000  }
0x2d: {  	s22 =	simm.s32 $0x800;
	s21 =	simm.s32 $0x100;
	[sflag:s12] =	ssyncset.done $0x0  }
.LBB2_2:
0x2e: {  	s23 =	sadd.s32 $0x80, s21  }
0x2f: {  	[sflag:s12] =	ssyncadd.s32 $0xFFFFE000;
	s24 =	smov.u32 s22;
	s25 =	sadd.s32 $0x400, s22  }
0x30: {  	[tilespmem:s16], [sflag:$0x2] =	stream.indirect.gather [hbm4b:s4+s14], $0x40, s23, s14, $0xb8;
	[tilespmem:$0x12F00] =	vst v63  }
0x31: {  	p0 =	sne.s32 s22, $0x9800;
	_ =	swait.ge [sflag:s17], $0x2000  }
0x32: {  	[sflag:s17] =	ssyncset.done $0x0  }
0x33: {  	s22 =	sadd.s32 $0x2780, s21;
	[sflag:s17] =	ssyncadd.s32 $0xFFFFE000  }
0x34: {  	[spmem:s2] =	stream.indirect.scatter.add.f32 [tilespmem:s15], [sflag:$0x3], $0x40, s22, s14, $0xb8;
	[tilespmem:$0x12F00] =	vst v63  }
0x35: {  	_ =	swait.ge [sflag:s12], $0x2000  }
0x36: {  	[sflag:s12] =	ssyncset.done $0x0  }
0x37: {  	s22 =	sadd.s32 $0x100, s21;
	[sflag:s12] =	ssyncadd.s32 $0xFFFFE000  }
0x38: {  	[tilespmem:s15], [sflag:$0x1] =	stream.indirect.gather [hbm4b:s4+s14], $0x40, s22, s14, $0xb8;
	[tilespmem:$0x12F00] =	vst v63  }
0x39: {  	_ =	swait.ge [sflag:s18], $0x2000  }
.Ltmp0:
0x3a: {  	[sflag:s18] =	ssyncset.done $0x0;
	(pc) =	sbr.rel @p0 .LBB2_2-.Ltmp0, $4  }
0x3b: {  	s21 =	sadd.s32 $0x2800, s21;
	[sflag:s18] =	ssyncadd.s32 $0xFFFFE000  }
0x3c: {  	[spmem:s2] =	stream.indirect.scatter.add.f32 [tilespmem:s16], [sflag:$0x3], $0x40, s21, s14, $0xb8;
	[tilespmem:$0x12F00] =	vst v63  }
0x3d: {  	_ =	swait.ge [sflag:s12], $0x2000  }
0x3e: {  	s22 =	smov.u32 s25;
	s21 =	sshra.s32 s24, $0x2;
	[sflag:s12] =	ssyncset.done $0x0  }
0x3f: {  	s22 =	sadd.s32 $0x80, s21;
	[sflag:s12] =	ssyncadd.s32 $0xFFFFE000  }
0x40: {  	[tilespmem:s16], [sflag:$0x2] =	stream.indirect.gather [hbm4b:s4+s14], $0x40, s22, s14, $0xb8;
	[tilespmem:$0x12F00] =	vst v63  }
0x41: {  	_ =	swait.ge [sflag:s17], $0x2000  }
0x42: {  	[sflag:s17] =	ssyncset.done $0x0  }
0x43: {  	s29 =	sadd.s32 $0x2780, s21;
	[sflag:s17] =	ssyncadd.s32 $0xFFFFE000  }
0x44: {  	[spmem:s2] =	stream.indirect.scatter.add.f32 [tilespmem:s15], [sflag:$0x3], $0x40, s29, s14, $0xb8;
	[tilespmem:$0x12F00] =	vst v63  }
0x45: {  	_ =	swait.ge [sflag:s12], $0x2000  }
0x46: {  	[sflag:s12] =	ssyncset.done $0x0  }
0x47: {  	s30 =	sadd.s32 $0x100, s21;
	[sflag:s12] =	ssyncadd.s32 $0xFFFFE000  }
0x48: {  	[tilespmem:s15], [sflag:$0x1] =	stream.indirect.gather [hbm4b:s4+s14], $0x40, s30, s14, $0xb8;
	[tilespmem:$0x12F00] =	vst v63  }
0x49: {  	_ =	swait.ge [sflag:s18], $0x2000  }
0x4a: {  	[sflag:s18] =	ssyncset.done $0x0  }
0x4b: {  	s31 =	sadd.s32 $0x2800, s21;
	[sflag:s18] =	ssyncadd.s32 $0xFFFFE000  }
0x4c: {  	[spmem:s2] =	stream.indirect.scatter.add.f32 [tilespmem:s16], [sflag:$0x3], $0x40, s31, s14, $0xb8;
	[tilespmem:$0x12F00] =	vst v63  }
0x4d: {  	_ =	swait.ge [sflag:s12], $0x2000  }
0x4e: {  	[sflag:s12] =	ssyncset.done $0x0  }
0x4f: {  	[sflag:s12] =	ssyncadd.s32 $0xFFFFE000  }
0x50: {  	_ =	swait.ge [sflag:s17], $0x2000  }
0x51: {  	[sflag:s17] =	ssyncset.done $0x0  }
0x52: {  	[sflag:s17] =	ssyncadd.s32 $0xFFFFE000  }
0x53: {  	[spmem:s2] =	stream.indirect.scatter.add.f32 [tilespmem:s15], [sflag:$0x3], $0x40, s19, s14, $0xb8;
	[tilespmem:$0x12F00] =	vst v63  }
0x54: {  	_ =	swait.ge [sflag:s12], $0x2000  }
0x55: {  	s20 =	sadd.s32 $0x1, s20;
	[sflag:s12] =	ssyncset.done $0x0  }
0x56: {  	p0 =	sne.s32 s20, s10;
	[sflag:s12] =	ssyncadd.s32 $0xFFFFE000  }
.Ltmp1:
0x57: {  	[bflag:$0x0] =	sbarrier.arrive $0xFFFF;
	(pc) =	sbr.rel @p0 .LBB2_1-.Ltmp1, $4  }
0x58: {  	[hbm:s9], [sflag:s6] =	dma.local [spmem:s11], $0x1400  }
0x59: {  	_ =	swait.ge [sflag:s12], $0x1400  }
0x5a: {  	[sflag:s12] =	ssyncset.done $0x0  }
0x5b: {  	[sflag:s12] =	ssyncadd.s32 $0xFFFFEC00  }
0x5c: {  	_ =	sfence.sel $0x180000  }
0x5d: {  	[bflag:$0x0] =	sbarrier.arrive $0xFFFF  }
0x5e: {  	p0 =	sne.s32 s0, $0x0;
	_ =	strace $0x90000047  }
0x5f: {  	s0 =	sadd.s32 @!p0 $0x100000, s1;
	[bflag:$0x2] =	sbarrier.arrive $0xFFFF  }
0x60: {  	[sflag:s0] =	ssyncadd.tile.s32 @!p0 $0x1;
	_ =	shalt  }
.Lfunc_end2:
_tile_overlayer_lowered:
.L_overlay_start_2:
0x61: {  	(tag) =	ssettag $0x2  }
0x62: {  	s0 =	rddreg [dreg:$0x0];
	s2 =	stileid.u32  }
0x63: {  	s1 =	rddreg [dreg:$0x1];
	p0 =	sne.s32 s2, $0x0  }
0x64: {  	s3 =	rddreg [dreg:$0x2];
	[bflag:$0x3] =	sbarrier.arrive $0xFFFF;
	s2 =	simm.s32 @!p0 $0x1C03  }
0x65: {  	[timem:s3], [sflag:s2] =	dma.local @!p0 [hbm:s0], s1  }
0x66: {  	s0 =	simm.s32 @!p0 $0x3  }
0x67: {  	_ =	swait.ge @!p0 [sflag:s0], s1  }
0x68: {  	s1 =	ssub.s32 @!p0 $0x0, s1;
	[sflag:s0] =	ssyncset.done @!p0 $0x0  }
0x69: {  	[sflag:s0] =	ssyncadd.s32 @!p0 s1  }
0x6a: {  	[bflag:$0x3] =	sbarrier.arrive $0xFFFF  }
0x6b: {  	_ =	shalt  }

// kernel: kernel.13.cloned.1.call-start
scs
__scs_entry_jumppad:
0x0: {  	(pc) =	sbr.rel $0x88, $3  }
0x1: {  	(tag) =	ssettag $0x0;
	lr =	simm.s32 $0x1  }
0x2: {  	[smem:$0x3F96] =	sst lr;
	_ =	strace $0xD0000000  }
0x3: {  	_ = 	snop  }
0x4: {  	_ = 	snop  }
0x5: {  	_ = 	snop  }
0x6: {  	_ = 	snop  }
0x7: {  	_ = 	snop  }
__scs_overlays_trampoline_lowered:
0x8: {  	[smem:$0x3FA5] =	sst s0  }
0x9: {  	[smem:$0x3FA6] =	sst s1  }
0xa: {  	[smem:$0x3FA7] =	sst s2  }
0xb: {  	[smem:$0x3FA8] =	sst s3  }
0xc: {  	[smem:$0x3FA9] =	sst s4  }
0xd: {  	[smem:$0x3FAA] =	sst s5  }
0xe: {  	[smem:$0x3FAB] =	sst s6  }
0xf: {  	[smem:$0x3FAC] =	sst s7  }
0x10: {  	[smem:$0x3FAD] =	sst s8  }
0x11: {  	[smem:$0x3FAE] =	sst s9;
	s0 =	simm.s32 @!p0 $0x0  }
0x12: {  	s1 =	sld [smem:$0x3F94];
	s0 =	simm.s32 @p0 $0x1  }
0x13: {  	[smem:$0x3FAF] =	sst s0;
	s0 =	simm.s32 @!p1 $0x0  }
0x14: {  	s2 =	sld [smem:$0x3F93];
	s0 =	simm.s32 @p1 $0x1  }
0x15: {  	[smem:$0x3FB0] =	sst s0;
	s0 =	simm.s32 @!p2 $0x0  }
0x16: {  	s3 =	sld [smem:$0x3FDB];
	s0 =	simm.s32 @p2 $0x1  }
0x17: {  	s4 =	simm.s32 $0x1BF5;
	[smem:$0x3FB2] =	sst s0  }
0x18: {  	s0 =	sld [smem:$0x3F95];
	_ =	swait.ge [sflag:s4], $0x0  }
0x19: {  	s7 =	sld [smem:$0x3F96]  }
0x1a: {  	s8 =	sadd.s32 $0xFFFFE003, lr  }
0x1b: {  	s9 =	sadd.s32 $0xFFFFFEF7, lr;
	s5 =	simm.s32 $0xFFFFFFFF;
	p2 =	slt.u32 s8, $0xFFFFF086  }
0x1c: {  	p1 =	slt.u32 s9, $0xF7A;
	s5 =	simm.s32 @!p2 $0x0  }
0x1d: {  	s5 =	simm.s32 @p1 $0x1;
	p0 =	seq.s32 s7, s2  }
0x1e: {  	s7 =	smul.u32 @!p0 $0xF7A, s2;
	p2 =	seq.s32 @!p0 s5, $0x0  }
0x1f: {  	s9 =	smul.u32 $0xF7A, s1;
	s8 =	simm.s32 @!p0 $0x1BF5;
	p2 =	por !p2, p0  }
0x20: {  	[sflag:s8] =	ssyncset.s32 @!p0 $0xFFFFF086;
	s6 =	sadd.s32 @!p0 s3, s7;
	s7 =	simm.s32 @!p0 $0x108  }
0x21: {  	s3 =	sadd.s32 s3, s9;
	s6 =	sadd.s32 @!p0 $0x88, s6;
	s7 =	simm.s32 @p2 $0x1082  }
0x22: {  	[simem:s7], [sflag:s8] =	dma.local @!p0 [hbm:s6], $0xF7A  }
0x23: {  	s9 =	sor.u32 $0xD0000000, s2;
	s6 =	simm.s32 $0x108;
	_ =	swait.ge @!p0 [sflag:s8], $0x0  }
0x24: {  	s3 =	sadd.s32 $0x88, s3;
	s6 =	simm.s32 @!p1 $0x1082;
	[sflag:s4] =	ssyncset.s32 $0xFFFFF086  }
0x25: {  	[simem:s6], [sflag:s4] =	dma.local [hbm:s3], $0xF7A  }
0x26: {  	[smem:$0x3F96] =	sst s1;
	(tag) =	ssettag s2;
	_ =	strace s9  }
0x27: {  	s1 =	sld [smem:$0x3FA6]  }
0x28: {  	s2 =	sld [smem:$0x3FA7]  }
0x29: {  	s4 =	sld [smem:$0x3FA9]  }
0x2a: {  	p0 =	seq.s32 s5, $0x0;
	s5 =	sld [smem:$0x3FAA]  }
0x2b: {  	s6 =	sld [smem:$0x3FAB]  }
0x2c: {  	s7 =	sld [smem:$0x3FAC]  }
0x2d: {  	s3 =	simm.s32 $0x108;
	s8 =	sld [smem:$0x3FAD]  }
0x2e: {  	s3 =	simm.s32 @!p0 $0x1082;
	s9 =	sld [smem:$0x3FAE]  }
0x2f: {  	lr =	sadd.s32 s0, s3;
	s0 =	sld [smem:$0x3FA5]  }
0x30: {  	s3 =	sld [smem:$0x3FA8]  }
0x31: {  	[smem:$0x3FB1] =	sst s10  }
0x32: {  	s10 =	sld [smem:$0x3FAF];
	_ =	sdelay $0x3  }
0x33: {  	p0 =	seq.s32 s10, $0x1;
	s10 =	sld [smem:$0x3FB1];
	_ =	sdelay $0x3  }
0x34: {  	[smem:$0x3FB1] =	sst s10  }
0x35: {  	s10 =	sld [smem:$0x3FB0];
	_ =	sdelay $0x3  }
0x36: {  	p1 =	seq.s32 s10, $0x1;
	s10 =	sld [smem:$0x3FB1];
	_ =	sdelay $0x3  }
0x37: {  	[smem:$0x3FB1] =	sst s10  }
0x38: {  	s10 =	sld [smem:$0x3FB2]  }
0x39: {  	_ = 	snop;
	(pc) =	sbr.ind lr, $3  }
0x3a: {  	_ = 	snop  }
0x3b: {  	_ = 	snop  }
0x3c: {  	p2 =	seq.s32 s10, $0x1;
	s10 =	sld [smem:$0x3FB1]  }
0x3d: {  	_ =	shalt  }
0x3e: {  	_ =	shalt  }
0x3f: {  	_ =	shalt  }
0x40: {  	_ =	shalt  }
0x41: {  	_ =	shalt  }
0x42: {  	_ =	shalt  }
0x43: {  	_ =	shalt  }
0x44: {  	_ =	shalt  }
0x45: {  	_ =	shalt  }
0x46: {  	_ =	shalt  }
0x47: {  	_ =	shalt  }
0x48: {  	_ =	shalt  }
0x49: {  	_ =	shalt  }
0x4a: {  	_ =	shalt  }
0x4b: {  	_ =	shalt  }
0x4c: {  	_ =	shalt  }
0x4d: {  	_ =	shalt  }
0x4e: {  	_ =	shalt  }
0x4f: {  	_ =	shalt  }
0x50: {  	_ =	shalt  }
0x51: {  	_ =	shalt  }
0x52: {  	_ =	shalt  }
0x53: {  	_ =	shalt  }
0x54: {  	_ =	shalt  }
0x55: {  	_ =	shalt  }
0x56: {  	_ =	shalt  }
0x57: {  	_ =	shalt  }
0x58: {  	_ =	shalt  }
0x59: {  	_ =	shalt  }
0x5a: {  	_ =	shalt  }
0x5b: {  	_ =	shalt  }
0x5c: {  	_ =	shalt  }
0x5d: {  	_ =	shalt  }
0x5e: {  	_ =	shalt  }
0x5f: {  	_ =	shalt  }
0x60: {  	_ =	shalt  }
0x61: {  	_ =	shalt  }
0x62: {  	_ =	shalt  }
0x63: {  	_ =	shalt  }
0x64: {  	_ =	shalt  }
0x65: {  	_ =	shalt  }
0x66: {  	_ =	shalt  }
0x67: {  	_ =	shalt  }
0x68: {  	_ =	shalt  }
0x69: {  	_ =	shalt  }
0x6a: {  	_ =	shalt  }
0x6b: {  	_ =	shalt  }
0x6c: {  	_ =	shalt  }
0x6d: {  	_ =	shalt  }
0x6e: {  	_ =	shalt  }
0x6f: {  	_ =	shalt  }
0x70: {  	_ =	shalt  }
0x71: {  	_ =	shalt  }
0x72: {  	_ =	shalt  }
0x73: {  	_ =	shalt  }
0x74: {  	_ =	shalt  }
0x75: {  	_ =	shalt  }
0x76: {  	_ =	shalt  }
0x77: {  	_ =	shalt  }
0x78: {  	_ =	shalt  }
0x79: {  	_ =	shalt  }
0x7a: {  	_ =	shalt  }
0x7b: {  	_ =	shalt  }
0x7c: {  	_ =	shalt  }
0x7d: {  	_ =	shalt  }
0x7e: {  	_ =	shalt  }
0x7f: {  	_ =	shalt  }
0x80: {  	_ =	shalt  }
0x81: {  	_ =	shalt  }
0x82: {  	_ =	shalt  }
0x83: {  	_ =	shalt  }
0x84: {  	_ =	shalt  }
0x85: {  	_ =	shalt  }
0x86: {  	_ =	shalt  }
0x87: {  	_ =	shalt  }
.Lfunc_end0:
.L_simem_size_0:
called_computation.1_lowered:
.L_overlay_start_0:
0x88: {  	s2 =	sld [smem:$0x3FD9]  }
0x89: {  	s3 =	sld [smem:$0x3FFE];
	_ =	sdelay $0x1  }
0x8a: {  	s1 =	srdreg.scid  }
0x8b: {  	s0 =	sand.u32 $0x1, s1  }
0x8c: {  	s16 =	sshll.u32 s0, $0xA;
	s2 =	sadd.s32 s3, s2  }
0x8d: {  	s2 =	sadd.s32 s2, s16  }
0x8e: {  	[smem:$0x3FBD] =	sst s2  }
0x8f: {  	_ = 	snop  }
0x90: {  	(tm) =	ssettm $0x1  }
0x91: {  	s17 =	sld [smem:$0x3FFB];
	_ =	sdelay $0x3  }
0x92: {  	_ =	strace s17  }
0x93: {  	s2 =	sld [smem:$0x3FFC];
	_ =	sdelay $0x3  }
0x94: {  	_ =	strace s2  }
0x95: {  	s2 =	sld [smem:$0x3FFD];
	_ =	sdelay $0x3  }
0x96: {  	_ =	strace s2  }
0x97: {  	_ =	strace $0x8FFFFFFF  }
0x98: {  	s18 =	sld [smem:$0x3FDB];
	_ =	sdelay $0x1  }
0x99: {  	s19 =	simm.s32 $_scs_section_size  }
0x9a: {  	s4 =	simm.s32 $_size__tile_overlayer_lowered;
	s5 =	simm.s32 $_tile_overlayer_lowered  }
0x9b: {  	s22 =	simm.s32 $0x1BFF;
	s21 =	sshll.u32 s5, $0x1;
	s2 =	sadd.s32 s19, s18  }
0x9c: {  	s6 =	simm.s32 $0x0;
	s20 =	sshll.u32 s4, $0x1;
	s4 =	sadd.s32 s21, s2  }
0x9d: {  	[timem:s6], [sflag:s22] =	dma.local [hbm:s4], s20  }
0x9e: {  	_ =	swait.ge [sflag:s22], s20  }
0x9f: {  	s3 =	ssub.s32 $0x0, s20;
	[sflag:s22] =	ssyncset.done $0x0  }
0xa0: {  	[sflag:s22] =	ssyncadd.s32 s3;
	_ =	sdelay $0x1  }
0xa1: {  	s23 =	simm.s32 $0x1B8B  }
0xa2: {  	_ =	swait.ge [sflag:s23], $0x1  }
0xa3: {  	[sflag:s23] =	ssyncset.done $0x0  }
0xa4: {  	s25 =	simm.s32 $0x1B8E;
	s24 =	sld [smem:$0x3FFE];
	[sflag:s23] =	ssyncadd.s32 $0xFFFFFFFF  }
0xa5: {  	s26 =	simm.s32 $execute0_lowered;
	[smem:$0x3FD2] =	sst s25  }
0xa6: {  	s4 =	sshll.u32 s26, $0x1;
	_ =	strace $0x80000049;
	[dreg:$0x1] =	wrdreg $0xFFFFFFFF  }
0xa7: {  	s28 =	simm.s32 $_size_execute0_lowered;
	s2 =	sadd.s32 s2, s4;
	[dreg:$0x0] =	wrdreg $0x0  }
0xa8: {  	s4 =	sshll.u32 s28, $0x1;
	[dreg:$0x2] =	wrdreg s2  }
0xa9: {  	[dreg:$0x3] =	wrdreg s4  }
0xaa: {  	[dreg:$0x4] =	wrdreg $0xC0  }
0xab: {  	_ =	task [dreg:s6], $0x5FFFF  }
0xac: {  	[dreg:$0x1] =	wrdreg $0xFFFFFFFF  }
0xad: {  	[dreg:$0x0] =	wrdreg $0x60  }
0xae: {  	[dreg:$0x2] =	wrdreg s24  }
0xaf: {  	[dreg:$0x3] =	wrdreg $0x8F000  }
0xb0: {  	[dreg:$0x4] =	wrdreg $0x9  }
0xb1: {  	_ =	task.clear_ibuf [dreg:s6], $0x5FFFF;
	_ =	strace $0x90000049  }
0xb2: {  	s29 =	simm.s32 $0x9;
	_ =	strace $0x8000004B  }
0xb3: {  	_ =	swait.ge [sflag:s29], $0x1  }
0xb4: {  	[sflag:s29] =	ssyncadd.s32 $0xFFFFFFFF  }
0xb5: {  	_ =	strace $0x9000004B  }
0xb6: {  	_ =	sfence  }
0xb7: {  	s30 =	sld [smem:$0x0];
	_ =	sdelay $0x2  }
0xb8: {  	s31 =	sshll.u32 s1, $0xD;
	s1 =	sshrl.u32 s1, $0x2  }
0xb9: {  	s3 =	sand.u32 $0x4000, s31;
	s1 =	sadd.s32 s1, s30  }
0xba: {  	s0 =	sor.u32 s3, s0;
	s1 =	sshll.u32 s1, $0x11  }
0xbb: {  	s0 =	sor.u32 s1, s0  }
0xbc: {  	s0 =	sadd.s32 $0x8F2B, s0  }
0xbd: {  	[sflag:s0] =	ssyncadd.remote.s32 $0x1  }
0xbe: {  	_ =	sfence.sel $0xFFFF  }
0xbf: {  	[dreg:$0x0] =	wrdreg $0xFFFFFFFF;
	(pc) =	sbr.abs _section_cstart, $3  }
0xc0: {  	[dreg:$0x1] =	wrdreg $0xFFFFFFFF  }
0xc1: {  	_ =	task.clear_ibuf [dreg:s6], $0x2FFFF;
	_ =	strace $0x9FFFFFFF  }
0xc2: {  	(tm) =	ssettm $0x7FFFFFFF  }
0xc3: {  	_ =	shalt  }
tec
execute0_lowered:
.L_overlay_start_1:
0x0: {  	(tag) =	ssettag $0x1  }
0x1: {  	s6 =	rddreg [dreg:$0x0]  }
0x2: {  	s0 =	srdreg.scid;
	s2 =	rddreg [dreg:$0x1]  }
0x3: {  	s3 =	simm.s32 $0x0;
	s14 =	simm.s32 $0x80;
	s15 =	simm.s32 $0x4F00  }
0x4: {  	s16 =	simm.s32 $0x6F00;
	s17 =	simm.s32 $0x1;
	s18 =	simm.s32 $0x2  }
0x5: {  	s19 =	simm.s32 $0x4E80;
	s5 =	sand.u32 $0x1, s0;
	s0 =	stileid.u32  }
0x6: {  	s20 =	simm.s32 $0x0;
	[smem:$0x7FF] =	sst s3;
	s8 =	smul.u32 $0xA000, s0  }
0x7: {  	s4 =	sadd.s32 $0x1E00, s6;
	s1 =	sshll.u32 s5, $0x4;
	s9 =	smul.u32 $0xA0000, s5  }
0x8: {  	s5 =	ssub.s32 $0x2, s5;
	s31 =	sshll.u32 s0, $0x6;
	s1 =	sor.u32 s0, s1  }
0x9: {  	s11 =	sshrl.u32 s5, $0x1;
	s7 =	smul.u32 $0x4F0, s1;
	s1 =	rddreg [dreg:$0x2]  }
0xa: {  	_ =	strace $0x8000004A;
	s29 =	sadd.s32 s8, s9;
	s30 =	sshrl.u32 s8, $0x3  }
0xb: {  	s11 =	ssub.s32 s5, s11;
	s13 =	sadd.s32 s8, s2;
	s9 =	sadd.s32 s30, s6  }
0xc: {  	s10 =	sadd.s32 s7, s6;
	s7 =	sshrl.u32 s29, $0x3;
	s5 =	sadd.s32 $0x29A00, s9  }
0xd: {  	s12 =	sadd.s32 s7, s6;
	s6 =	sor.u32 $0x1C03, s31;
	s7 =	sadd.s32 $0x15E00, s10  }
0xe: {  	s8 =	sadd.s32 $0x1FC00, s10;
	s10 =	smax.u32 s11, $0x1;
	s11 =	sshrl.u32 s13, $0x3  }
0xf: {  	s13 =	simm.s32 $0x2780;
	s9 =	sadd.s32 $0x3DA00, s12;
	s12 =	simm.s32 $0x3  }
.LBB2_1:
0x10: {  	[spmem:s11], [sflag:s6] =	dma.local [hbm:s5], $0x1400  }
0x11: {  	_ =	swait.ge [sflag:s12], $0x1400  }
0x12: {  	[sflag:s12] =	ssyncset.done $0x0  }
0x13: {  	[sflag:s12] =	ssyncadd.s32 $0xFFFFEC00  }
0x14: {  	[tilespmem:s3], [sflag:$0x3] =	stream.linear.gather [hbm4b:s7+s3], $0x2780, $0x38;
	[tilespmem:$0x12F00] =	vst v63  }
0x15: {  	_ =	swait.ge [sflag:s12], $0x2780  }
0x16: {  	[sflag:s12] =	ssyncset.done $0x0  }
0x17: {  	[sflag:s12] =	ssyncadd.s32 $0xFFFFD880  }
0x18: {  	[tilespmem:s13], [sflag:$0x3] =	stream.linear.gather [hbm4b:s8+s3], $0x2780, $0x38;
	[tilespmem:$0x12F00] =	vst v63  }
0x19: {  	_ =	swait.ge [sflag:s12], $0x2780  }
0x1a: {  	[sflag:s12] =	ssyncset.done $0x0  }
0x1b: {  	[sflag:s12] =	ssyncadd.s32 $0xFFFFD880  }
0x1c: {  	[bflag:$0x0] =	sbarrier.arrive $0xFFFF  }
0x1d: {  	[tilespmem:s15], [sflag:$0x1] =	stream.indirect.gather [hbm4b:s4+s14], $0x40, s3, s14, $0xb8;
	[tilespmem:$0x12F00] =	vst v63  }
0x1e: {  	s21 =	simm.s32 $0x80  }
0x1f: {  	[tilespmem:s16], [sflag:$0x2] =	stream.indirect.gather [hbm4b:s4+s14], $0x40, s21, s14, $0xb8;
	[tilespmem:$0x12F00] =	vst v63  }
0x20: {  	_ =	swait.ge [sflag:s17], $0x2000  }
0x21: {  	[sflag:s17] =	ssyncset.done $0x0  }
0x22: {  	s29 =	simm.s32 $0x2780;
	[sflag:s17] =	ssyncadd.s32 $0xFFFFE000  }
0x23: {  	[spmem:s2] =	stream.indirect.scatter.add.f32 [tilespmem:s15], [sflag:$0x3], $0x40, s29, s14, $0xb8;
	[tilespmem:$0x12F00] =	vst v63  }
0x24: {  	_ =	swait.ge [sflag:s12], $0x2000  }
0x25: {  	[sflag:s12] =	ssyncset.done $0x0  }
0x26: {  	s30 =	simm.s32 $0x100;
	[sflag:s12] =	ssyncadd.s32 $0xFFFFE000  }
0x27: {  	[tilespmem:s15], [sflag:$0x1] =	stream.indirect.gather [hbm4b:s4+s14], $0x40, s30, s14, $0xb8;
	[tilespmem:$0x12F00] =	vst v63  }
0x28: {  	_ =	swait.ge [sflag:s18], $0x2000  }
0x29: {  	[sflag:s18] =	ssyncset.done $0x0  }
0x2a: {  	s31 =	simm.s32 $0x2800;
	[sflag:s18] =	ssyncadd.s32 $0xFFFFE000  }
0x2b: {  	[spmem:s2] =	stream.indirect.scatter.add.f32 [tilespmem:s16], [sflag:$0x3], $0x40, s31, s14, $0xb8;
	[tilespmem:$0x12F00] =	vst v63  }
0x2c: {  	_ =	swait.ge [sflag:s12], $0x2000  }
0x2d: {  	s22 =	simm.s32 $0x800;
	s21 =	simm.s32 $0x100;
	[sflag:s12] =	ssyncset.done $0x0  }
.LBB2_2:
0x2e: {  	s23 =	sadd.s32 $0x80, s21  }
0x2f: {  	[sflag:s12] =	ssyncadd.s32 $0xFFFFE000;
	s24 =	smov.u32 s22;
	s25 =	sadd.s32 $0x400, s22  }
0x30: {  	[tilespmem:s16], [sflag:$0x2] =	stream.indirect.gather [hbm4b:s4+s14], $0x40, s23, s14, $0xb8;
	[tilespmem:$0x12F00] =	vst v63  }
0x31: {  	p0 =	sne.s32 s22, $0x9800;
	_ =	swait.ge [sflag:s17], $0x2000  }
0x32: {  	[sflag:s17] =	ssyncset.done $0x0  }
0x33: {  	s22 =	sadd.s32 $0x2780, s21;
	[sflag:s17] =	ssyncadd.s32 $0xFFFFE000  }
0x34: {  	[spmem:s2] =	stream.indirect.scatter.add.f32 [tilespmem:s15], [sflag:$0x3], $0x40, s22, s14, $0xb8;
	[tilespmem:$0x12F00] =	vst v63  }
0x35: {  	_ =	swait.ge [sflag:s12], $0x2000  }
0x36: {  	[sflag:s12] =	ssyncset.done $0x0  }
0x37: {  	s22 =	sadd.s32 $0x100, s21;
	[sflag:s12] =	ssyncadd.s32 $0xFFFFE000  }
0x38: {  	[tilespmem:s15], [sflag:$0x1] =	stream.indirect.gather [hbm4b:s4+s14], $0x40, s22, s14, $0xb8;
	[tilespmem:$0x12F00] =	vst v63  }
0x39: {  	_ =	swait.ge [sflag:s18], $0x2000  }
.Ltmp0:
0x3a: {  	[sflag:s18] =	ssyncset.done $0x0;
	(pc) =	sbr.rel @p0 .LBB2_2-.Ltmp0, $4  }
0x3b: {  	s21 =	sadd.s32 $0x2800, s21;
	[sflag:s18] =	ssyncadd.s32 $0xFFFFE000  }
0x3c: {  	[spmem:s2] =	stream.indirect.scatter.add.f32 [tilespmem:s16], [sflag:$0x3], $0x40, s21, s14, $0xb8;
	[tilespmem:$0x12F00] =	vst v63  }
0x3d: {  	_ =	swait.ge [sflag:s12], $0x2000  }
0x3e: {  	s22 =	smov.u32 s25;
	s21 =	sshra.s32 s24, $0x2;
	[sflag:s12] =	ssyncset.done $0x0  }
0x3f: {  	s22 =	sadd.s32 $0x80, s21;
	[sflag:s12] =	ssyncadd.s32 $0xFFFFE000  }
0x40: {  	[tilespmem:s16], [sflag:$0x2] =	stream.indirect.gather [hbm4b:s4+s14], $0x40, s22, s14, $0xb8;
	[tilespmem:$0x12F00] =	vst v63  }
0x41: {  	_ =	swait.ge [sflag:s17], $0x2000  }
0x42: {  	[sflag:s17] =	ssyncset.done $0x0  }
0x43: {  	s29 =	sadd.s32 $0x2780, s21;
	[sflag:s17] =	ssyncadd.s32 $0xFFFFE000  }
0x44: {  	[spmem:s2] =	stream.indirect.scatter.add.f32 [tilespmem:s15], [sflag:$0x3], $0x40, s29, s14, $0xb8;
	[tilespmem:$0x12F00] =	vst v63  }
0x45: {  	_ =	swait.ge [sflag:s12], $0x2000  }
0x46: {  	[sflag:s12] =	ssyncset.done $0x0  }
0x47: {  	s30 =	sadd.s32 $0x100, s21;
	[sflag:s12] =	ssyncadd.s32 $0xFFFFE000  }
0x48: {  	[tilespmem:s15], [sflag:$0x1] =	stream.indirect.gather [hbm4b:s4+s14], $0x40, s30, s14, $0xb8;
	[tilespmem:$0x12F00] =	vst v63  }
0x49: {  	_ =	swait.ge [sflag:s18], $0x2000  }
0x4a: {  	[sflag:s18] =	ssyncset.done $0x0  }
0x4b: {  	s31 =	sadd.s32 $0x2800, s21;
	[sflag:s18] =	ssyncadd.s32 $0xFFFFE000  }
0x4c: {  	[spmem:s2] =	stream.indirect.scatter.add.f32 [tilespmem:s16], [sflag:$0x3], $0x40, s31, s14, $0xb8;
	[tilespmem:$0x12F00] =	vst v63  }
0x4d: {  	_ =	swait.ge [sflag:s12], $0x2000  }
0x4e: {  	[sflag:s12] =	ssyncset.done $0x0  }
0x4f: {  	[sflag:s12] =	ssyncadd.s32 $0xFFFFE000  }
0x50: {  	_ =	swait.ge [sflag:s17], $0x2000  }
0x51: {  	[sflag:s17] =	ssyncset.done $0x0  }
0x52: {  	[sflag:s17] =	ssyncadd.s32 $0xFFFFE000  }
0x53: {  	[spmem:s2] =	stream.indirect.scatter.add.f32 [tilespmem:s15], [sflag:$0x3], $0x40, s19, s14, $0xb8;
	[tilespmem:$0x12F00] =	vst v63  }
0x54: {  	_ =	swait.ge [sflag:s12], $0x2000  }
0x55: {  	s20 =	sadd.s32 $0x1, s20;
	[sflag:s12] =	ssyncset.done $0x0  }
0x56: {  	p0 =	sne.s32 s20, s10;
	[sflag:s12] =	ssyncadd.s32 $0xFFFFE000  }
.Ltmp1:
0x57: {  	[bflag:$0x0] =	sbarrier.arrive $0xFFFF;
	(pc) =	sbr.rel @p0 .LBB2_1-.Ltmp1, $4  }
0x58: {  	[hbm:s9], [sflag:s6] =	dma.local [spmem:s11], $0x1400  }
0x59: {  	_ =	swait.ge [sflag:s12], $0x1400  }
0x5a: {  	[sflag:s12] =	ssyncset.done $0x0  }
0x5b: {  	[sflag:s12] =	ssyncadd.s32 $0xFFFFEC00  }
0x5c: {  	_ =	sfence.sel $0x180000  }
0x5d: {  	[bflag:$0x0] =	sbarrier.arrive $0xFFFF  }
0x5e: {  	p0 =	sne.s32 s0, $0x0;
	_ =	strace $0x9000004A  }
0x5f: {  	s0 =	sadd.s32 @!p0 $0x100000, s1;
	[bflag:$0x2] =	sbarrier.arrive $0xFFFF  }
0x60: {  	[sflag:s0] =	ssyncadd.tile.s32 @!p0 $0x1;
	_ =	shalt  }
.Lfunc_end2:
_tile_overlayer_lowered:
.L_overlay_start_2:
0x61: {  	(tag) =	ssettag $0x2  }
0x62: {  	s0 =	rddreg [dreg:$0x0];
	s2 =	stileid.u32  }
0x63: {  	s1 =	rddreg [dreg:$0x1];
	p0 =	sne.s32 s2, $0x0  }
0x64: {  	s3 =	rddreg [dreg:$0x2];
	[bflag:$0x3] =	sbarrier.arrive $0xFFFF;
	s2 =	simm.s32 @!p0 $0x1C03  }
0x65: {  	[timem:s3], [sflag:s2] =	dma.local @!p0 [hbm:s0], s1  }
0x66: {  	s0 =	simm.s32 @!p0 $0x3  }
0x67: {  	_ =	swait.ge @!p0 [sflag:s0], s1  }
0x68: {  	s1 =	ssub.s32 @!p0 $0x0, s1;
	[sflag:s0] =	ssyncset.done @!p0 $0x0  }
0x69: {  	[sflag:s0] =	ssyncadd.s32 @!p0 s1  }
0x6a: {  	[bflag:$0x3] =	sbarrier.arrive $0xFFFF  }
0x6b: {  	_ =	shalt  }

// kernel: kernel.16.cloned.1.call-start
scs
__scs_entry_jumppad:
0x0: {  	(pc) =	sbr.rel $0x88, $3  }
0x1: {  	(tag) =	ssettag $0x0;
	lr =	simm.s32 $0x1  }
0x2: {  	[smem:$0x3F96] =	sst lr;
	_ =	strace $0xD0000000  }
0x3: {  	_ = 	snop  }
0x4: {  	_ = 	snop  }
0x5: {  	_ = 	snop  }
0x6: {  	_ = 	snop  }
0x7: {  	_ = 	snop  }
__scs_overlays_trampoline_lowered:
0x8: {  	[smem:$0x3FA5] =	sst s0  }
0x9: {  	[smem:$0x3FA6] =	sst s1  }
0xa: {  	[smem:$0x3FA7] =	sst s2  }
0xb: {  	[smem:$0x3FA8] =	sst s3  }
0xc: {  	[smem:$0x3FA9] =	sst s4  }
0xd: {  	[smem:$0x3FAA] =	sst s5  }
0xe: {  	[smem:$0x3FAB] =	sst s6  }
0xf: {  	[smem:$0x3FAC] =	sst s7  }
0x10: {  	[smem:$0x3FAD] =	sst s8  }
0x11: {  	[smem:$0x3FAE] =	sst s9;
	s0 =	simm.s32 @!p0 $0x0  }
0x12: {  	s1 =	sld [smem:$0x3F94];
	s0 =	simm.s32 @p0 $0x1  }
0x13: {  	[smem:$0x3FAF] =	sst s0;
	s0 =	simm.s32 @!p1 $0x0  }
0x14: {  	s2 =	sld [smem:$0x3F93];
	s0 =	simm.s32 @p1 $0x1  }
0x15: {  	[smem:$0x3FB0] =	sst s0;
	s0 =	simm.s32 @!p2 $0x0  }
0x16: {  	s3 =	sld [smem:$0x3FDB];
	s0 =	simm.s32 @p2 $0x1  }
0x17: {  	s4 =	simm.s32 $0x1BF5;
	[smem:$0x3FB2] =	sst s0  }
0x18: {  	s0 =	sld [smem:$0x3F95];
	_ =	swait.ge [sflag:s4], $0x0  }
0x19: {  	s7 =	sld [smem:$0x3F96]  }
0x1a: {  	s8 =	sadd.s32 $0xFFFFE003, lr  }
0x1b: {  	s9 =	sadd.s32 $0xFFFFFEF7, lr;
	s5 =	simm.s32 $0xFFFFFFFF;
	p2 =	slt.u32 s8, $0xFFFFF086  }
0x1c: {  	p1 =	slt.u32 s9, $0xF7A;
	s5 =	simm.s32 @!p2 $0x0  }
0x1d: {  	s5 =	simm.s32 @p1 $0x1;
	p0 =	seq.s32 s7, s2  }
0x1e: {  	s7 =	smul.u32 @!p0 $0xF7A, s2;
	p2 =	seq.s32 @!p0 s5, $0x0  }
0x1f: {  	s9 =	smul.u32 $0xF7A, s1;
	s8 =	simm.s32 @!p0 $0x1BF5;
	p2 =	por !p2, p0  }
0x20: {  	[sflag:s8] =	ssyncset.s32 @!p0 $0xFFFFF086;
	s6 =	sadd.s32 @!p0 s3, s7;
	s7 =	simm.s32 @!p0 $0x108  }
0x21: {  	s3 =	sadd.s32 s3, s9;
	s6 =	sadd.s32 @!p0 $0x88, s6;
	s7 =	simm.s32 @p2 $0x1082  }
0x22: {  	[simem:s7], [sflag:s8] =	dma.local @!p0 [hbm:s6], $0xF7A  }
0x23: {  	s9 =	sor.u32 $0xD0000000, s2;
	s6 =	simm.s32 $0x108;
	_ =	swait.ge @!p0 [sflag:s8], $0x0  }
0x24: {  	s3 =	sadd.s32 $0x88, s3;
	s6 =	simm.s32 @!p1 $0x1082;
	[sflag:s4] =	ssyncset.s32 $0xFFFFF086  }
0x25: {  	[simem:s6], [sflag:s4] =	dma.local [hbm:s3], $0xF7A  }
0x26: {  	[smem:$0x3F96] =	sst s1;
	(tag) =	ssettag s2;
	_ =	strace s9  }
0x27: {  	s1 =	sld [smem:$0x3FA6]  }
0x28: {  	s2 =	sld [smem:$0x3FA7]  }
0x29: {  	s4 =	sld [smem:$0x3FA9]  }
0x2a: {  	p0 =	seq.s32 s5, $0x0;
	s5 =	sld [smem:$0x3FAA]  }
0x2b: {  	s6 =	sld [smem:$0x3FAB]  }
0x2c: {  	s7 =	sld [smem:$0x3FAC]  }
0x2d: {  	s3 =	simm.s32 $0x108;
	s8 =	sld [smem:$0x3FAD]  }
0x2e: {  	s3 =	simm.s32 @!p0 $0x1082;
	s9 =	sld [smem:$0x3FAE]  }
0x2f: {  	lr =	sadd.s32 s0, s3;
	s0 =	sld [smem:$0x3FA5]  }
0x30: {  	s3 =	sld [smem:$0x3FA8]  }
0x31: {  	[smem:$0x3FB1] =	sst s10  }
0x32: {  	s10 =	sld [smem:$0x3FAF];
	_ =	sdelay $0x3  }
0x33: {  	p0 =	seq.s32 s10, $0x1;
	s10 =	sld [smem:$0x3FB1];
	_ =	sdelay $0x3  }
0x34: {  	[smem:$0x3FB1] =	sst s10  }
0x35: {  	s10 =	sld [smem:$0x3FB0];
	_ =	sdelay $0x3  }
0x36: {  	p1 =	seq.s32 s10, $0x1;
	s10 =	sld [smem:$0x3FB1];
	_ =	sdelay $0x3  }
0x37: {  	[smem:$0x3FB1] =	sst s10  }
0x38: {  	s10 =	sld [smem:$0x3FB2]  }
0x39: {  	_ = 	snop;
	(pc) =	sbr.ind lr, $3  }
0x3a: {  	_ = 	snop  }
0x3b: {  	_ = 	snop  }
0x3c: {  	p2 =	seq.s32 s10, $0x1;
	s10 =	sld [smem:$0x3FB1]  }
0x3d: {  	_ =	shalt  }
0x3e: {  	_ =	shalt  }
0x3f: {  	_ =	shalt  }
0x40: {  	_ =	shalt  }
0x41: {  	_ =	shalt  }
0x42: {  	_ =	shalt  }
0x43: {  	_ =	shalt  }
0x44: {  	_ =	shalt  }
0x45: {  	_ =	shalt  }
0x46: {  	_ =	shalt  }
0x47: {  	_ =	shalt  }
0x48: {  	_ =	shalt  }
0x49: {  	_ =	shalt  }
0x4a: {  	_ =	shalt  }
0x4b: {  	_ =	shalt  }
0x4c: {  	_ =	shalt  }
0x4d: {  	_ =	shalt  }
0x4e: {  	_ =	shalt  }
0x4f: {  	_ =	shalt  }
0x50: {  	_ =	shalt  }
0x51: {  	_ =	shalt  }
0x52: {  	_ =	shalt  }
0x53: {  	_ =	shalt  }
0x54: {  	_ =	shalt  }
0x55: {  	_ =	shalt  }
0x56: {  	_ =	shalt  }
0x57: {  	_ =	shalt  }
0x58: {  	_ =	shalt  }
0x59: {  	_ =	shalt  }
0x5a: {  	_ =	shalt  }
0x5b: {  	_ =	shalt  }
0x5c: {  	_ =	shalt  }
0x5d: {  	_ =	shalt  }
0x5e: {  	_ =	shalt  }
0x5f: {  	_ =	shalt  }
0x60: {  	_ =	shalt  }
0x61: {  	_ =	shalt  }
0x62: {  	_ =	shalt  }
0x63: {  	_ =	shalt  }
0x64: {  	_ =	shalt  }
0x65: {  	_ =	shalt  }
0x66: {  	_ =	shalt  }
0x67: {  	_ =	shalt  }
0x68: {  	_ =	shalt  }
0x69: {  	_ =	shalt  }
0x6a: {  	_ =	shalt  }
0x6b: {  	_ =	shalt  }
0x6c: {  	_ =	shalt  }
0x6d: {  	_ =	shalt  }
0x6e: {  	_ =	shalt  }
0x6f: {  	_ =	shalt  }
0x70: {  	_ =	shalt  }
0x71: {  	_ =	shalt  }
0x72: {  	_ =	shalt  }
0x73: {  	_ =	shalt  }
0x74: {  	_ =	shalt  }
0x75: {  	_ =	shalt  }
0x76: {  	_ =	shalt  }
0x77: {  	_ =	shalt  }
0x78: {  	_ =	shalt  }
0x79: {  	_ =	shalt  }
0x7a: {  	_ =	shalt  }
0x7b: {  	_ =	shalt  }
0x7c: {  	_ =	shalt  }
0x7d: {  	_ =	shalt  }
0x7e: {  	_ =	shalt  }
0x7f: {  	_ =	shalt  }
0x80: {  	_ =	shalt  }
0x81: {  	_ =	shalt  }
0x82: {  	_ =	shalt  }
0x83: {  	_ =	shalt  }
0x84: {  	_ =	shalt  }
0x85: {  	_ =	shalt  }
0x86: {  	_ =	shalt  }
0x87: {  	_ =	shalt  }
.Lfunc_end0:
.L_simem_size_0:
called_computation.2_lowered:
.L_overlay_start_0:
0x88: {  	s2 =	sld [smem:$0x3FD9]  }
0x89: {  	s3 =	sld [smem:$0x3FFE];
	_ =	sdelay $0x1  }
0x8a: {  	s1 =	srdreg.scid  }
0x8b: {  	s0 =	sand.u32 $0x1, s1  }
0x8c: {  	s16 =	sshll.u32 s0, $0xA;
	s2 =	sadd.s32 s3, s2  }
0x8d: {  	s2 =	sadd.s32 s2, s16  }
0x8e: {  	[smem:$0x3FBD] =	sst s2  }
0x8f: {  	_ = 	snop  }
0x90: {  	(tm) =	ssettm $0x1  }
0x91: {  	s17 =	sld [smem:$0x3FFB];
	_ =	sdelay $0x3  }
0x92: {  	_ =	strace s17  }
0x93: {  	s2 =	sld [smem:$0x3FFC];
	_ =	sdelay $0x3  }
0x94: {  	_ =	strace s2  }
0x95: {  	s2 =	sld [smem:$0x3FFD];
	_ =	sdelay $0x3  }
0x96: {  	_ =	strace s2  }
0x97: {  	_ =	strace $0x8FFFFFFF  }
0x98: {  	s18 =	sld [smem:$0x3FDB];
	_ =	sdelay $0x1  }
0x99: {  	s19 =	simm.s32 $_scs_section_size  }
0x9a: {  	s4 =	simm.s32 $_size__tile_overlayer_lowered;
	s5 =	simm.s32 $_tile_overlayer_lowered  }
0x9b: {  	s22 =	simm.s32 $0x1BFF;
	s21 =	sshll.u32 s5, $0x1;
	s2 =	sadd.s32 s19, s18  }
0x9c: {  	s6 =	simm.s32 $0x0;
	s20 =	sshll.u32 s4, $0x1;
	s4 =	sadd.s32 s21, s2  }
0x9d: {  	[timem:s6], [sflag:s22] =	dma.local [hbm:s4], s20  }
0x9e: {  	_ =	swait.ge [sflag:s22], s20  }
0x9f: {  	s3 =	ssub.s32 $0x0, s20;
	[sflag:s22] =	ssyncset.done $0x0  }
0xa0: {  	[sflag:s22] =	ssyncadd.s32 s3;
	_ =	sdelay $0x1  }
0xa1: {  	s23 =	simm.s32 $0x1B8B  }
0xa2: {  	_ =	swait.ge [sflag:s23], $0x1  }
0xa3: {  	[sflag:s23] =	ssyncset.done $0x0  }
0xa4: {  	s25 =	simm.s32 $0x1B8E;
	s24 =	sld [smem:$0x3FFE];
	[sflag:s23] =	ssyncadd.s32 $0xFFFFFFFF  }
0xa5: {  	s26 =	simm.s32 $execute0_lowered;
	[smem:$0x3FD2] =	sst s25  }
0xa6: {  	s4 =	sshll.u32 s26, $0x1;
	_ =	strace $0x8000004C;
	[dreg:$0x1] =	wrdreg $0xFFFFFFFF  }
0xa7: {  	s28 =	simm.s32 $_size_execute0_lowered;
	s2 =	sadd.s32 s2, s4;
	[dreg:$0x0] =	wrdreg $0x0  }
0xa8: {  	s4 =	sshll.u32 s28, $0x1;
	[dreg:$0x2] =	wrdreg s2  }
0xa9: {  	[dreg:$0x3] =	wrdreg s4  }
0xaa: {  	[dreg:$0x4] =	wrdreg $0xC0  }
0xab: {  	_ =	task [dreg:s6], $0x5FFFF  }
0xac: {  	[dreg:$0x1] =	wrdreg $0xFFFFFFFF  }
0xad: {  	[dreg:$0x0] =	wrdreg $0x60  }
0xae: {  	[dreg:$0x2] =	wrdreg s24  }
0xaf: {  	[dreg:$0x3] =	wrdreg $0x8F000  }
0xb0: {  	[dreg:$0x4] =	wrdreg $0x9  }
0xb1: {  	_ =	task.clear_ibuf [dreg:s6], $0x5FFFF;
	_ =	strace $0x9000004C  }
0xb2: {  	s29 =	simm.s32 $0x9;
	_ =	strace $0x8000004E  }
0xb3: {  	_ =	swait.ge [sflag:s29], $0x1  }
0xb4: {  	[sflag:s29] =	ssyncadd.s32 $0xFFFFFFFF  }
0xb5: {  	_ =	strace $0x9000004E  }
0xb6: {  	_ =	sfence  }
0xb7: {  	s30 =	sld [smem:$0x0];
	_ =	sdelay $0x2  }
0xb8: {  	s31 =	sshll.u32 s1, $0xD;
	s1 =	sshrl.u32 s1, $0x2  }
0xb9: {  	s3 =	sand.u32 $0x4000, s31;
	s1 =	sadd.s32 s1, s30  }
0xba: {  	s0 =	sor.u32 s3, s0;
	s1 =	sshll.u32 s1, $0x11  }
0xbb: {  	s0 =	sor.u32 s1, s0  }
0xbc: {  	s0 =	sadd.s32 $0x8F2B, s0  }
0xbd: {  	[sflag:s0] =	ssyncadd.remote.s32 $0x1  }
0xbe: {  	_ =	sfence.sel $0xFFFF  }
0xbf: {  	[dreg:$0x0] =	wrdreg $0xFFFFFFFF;
	(pc) =	sbr.abs _section_cstart, $3  }
0xc0: {  	[dreg:$0x1] =	wrdreg $0xFFFFFFFF  }
0xc1: {  	_ =	task.clear_ibuf [dreg:s6], $0x2FFFF;
	_ =	strace $0x9FFFFFFF  }
0xc2: {  	(tm) =	ssettm $0x7FFFFFFF  }
0xc3: {  	_ =	shalt  }
tec
execute0_lowered:
.L_overlay_start_1:
0x0: {  	(tag) =	ssettag $0x1  }
0x1: {  	s6 =	rddreg [dreg:$0x0]  }
0x2: {  	s0 =	srdreg.scid;
	s2 =	rddreg [dreg:$0x1]  }
0x3: {  	s3 =	simm.s32 $0x0;
	s14 =	simm.s32 $0x80;
	s15 =	simm.s32 $0x4F00  }
0x4: {  	s16 =	simm.s32 $0x6F00;
	s17 =	simm.s32 $0x1;
	s18 =	simm.s32 $0x2  }
0x5: {  	s19 =	simm.s32 $0x4E80;
	s5 =	sand.u32 $0x1, s0;
	s0 =	stileid.u32  }
0x6: {  	s20 =	simm.s32 $0x0;
	[smem:$0x7FF] =	sst s3;
	s8 =	smul.u32 $0xA000, s0  }
0x7: {  	s4 =	sadd.s32 $0x1E00, s6;
	s1 =	sshll.u32 s5, $0x4;
	s9 =	smul.u32 $0xA0000, s5  }
0x8: {  	s5 =	ssub.s32 $0x2, s5;
	s31 =	sshll.u32 s0, $0x6;
	s1 =	sor.u32 s0, s1  }
0x9: {  	s11 =	sshrl.u32 s5, $0x1;
	s7 =	smul.u32 $0x4F0, s1;
	s1 =	rddreg [dreg:$0x2]  }
0xa: {  	_ =	strace $0x8000004D;
	s29 =	sadd.s32 s8, s9;
	s30 =	sshrl.u32 s8, $0x3  }
0xb: {  	s11 =	ssub.s32 s5, s11;
	s13 =	sadd.s32 s8, s2;
	s9 =	sadd.s32 s30, s6  }
0xc: {  	s10 =	sadd.s32 s7, s6;
	s7 =	sshrl.u32 s29, $0x3;
	s5 =	sadd.s32 $0x29A00, s9  }
0xd: {  	s12 =	sadd.s32 s7, s6;
	s6 =	sor.u32 $0x1C03, s31;
	s7 =	sadd.s32 $0x15E00, s10  }
0xe: {  	s8 =	sadd.s32 $0x1FC00, s10;
	s10 =	smax.u32 s11, $0x1;
	s11 =	sshrl.u32 s13, $0x3  }
0xf: {  	s13 =	simm.s32 $0x2780;
	s9 =	sadd.s32 $0x3DA00, s12;
	s12 =	simm.s32 $0x3  }
.LBB2_1:
0x10: {  	[spmem:s11], [sflag:s6] =	dma.local [hbm:s5], $0x1400  }
0x11: {  	_ =	swait.ge [sflag:s12], $0x1400  }
0x12: {  	[sflag:s12] =	ssyncset.done $0x0  }
0x13: {  	[sflag:s12] =	ssyncadd.s32 $0xFFFFEC00  }
0x14: {  	[tilespmem:s3], [sflag:$0x3] =	stream.linear.gather [hbm4b:s7+s3], $0x2780, $0x38;
	[tilespmem:$0x12F00] =	vst v63  }
0x15: {  	_ =	swait.ge [sflag:s12], $0x2780  }
0x16: {  	[sflag:s12] =	ssyncset.done $0x0  }
0x17: {  	[sflag:s12] =	ssyncadd.s32 $0xFFFFD880  }
0x18: {  	[tilespmem:s13], [sflag:$0x3] =	stream.linear.gather [hbm4b:s8+s3], $0x2780, $0x38;
	[tilespmem:$0x12F00] =	vst v63  }
0x19: {  	_ =	swait.ge [sflag:s12], $0x2780  }
0x1a: {  	[sflag:s12] =	ssyncset.done $0x0  }
0x1b: {  	[sflag:s12] =	ssyncadd.s32 $0xFFFFD880  }
0x1c: {  	[bflag:$0x0] =	sbarrier.arrive $0xFFFF  }
0x1d: {  	[tilespmem:s15], [sflag:$0x1] =	stream.indirect.gather [hbm4b:s4+s14], $0x40, s3, s14, $0xb8;
	[tilespmem:$0x12F00] =	vst v63  }
0x1e: {  	s21 =	simm.s32 $0x80  }
0x1f: {  	[tilespmem:s16], [sflag:$0x2] =	stream.indirect.gather [hbm4b:s4+s14], $0x40, s21, s14, $0xb8;
	[tilespmem:$0x12F00] =	vst v63  }
0x20: {  	_ =	swait.ge [sflag:s17], $0x2000  }
0x21: {  	[sflag:s17] =	ssyncset.done $0x0  }
0x22: {  	s29 =	simm.s32 $0x2780;
	[sflag:s17] =	ssyncadd.s32 $0xFFFFE000  }
0x23: {  	[spmem:s2] =	stream.indirect.scatter.add.f32 [tilespmem:s15], [sflag:$0x3], $0x40, s29, s14, $0xb8;
	[tilespmem:$0x12F00] =	vst v63  }
0x24: {  	_ =	swait.ge [sflag:s12], $0x2000  }
0x25: {  	[sflag:s12] =	ssyncset.done $0x0  }
0x26: {  	s30 =	simm.s32 $0x100;
	[sflag:s12] =	ssyncadd.s32 $0xFFFFE000  }
0x27: {  	[tilespmem:s15], [sflag:$0x1] =	stream.indirect.gather [hbm4b:s4+s14], $0x40, s30, s14, $0xb8;
	[tilespmem:$0x12F00] =	vst v63  }
0x28: {  	_ =	swait.ge [sflag:s18], $0x2000  }
0x29: {  	[sflag:s18] =	ssyncset.done $0x0  }
0x2a: {  	s31 =	simm.s32 $0x2800;
	[sflag:s18] =	ssyncadd.s32 $0xFFFFE000  }
0x2b: {  	[spmem:s2] =	stream.indirect.scatter.add.f32 [tilespmem:s16], [sflag:$0x3], $0x40, s31, s14, $0xb8;
	[tilespmem:$0x12F00] =	vst v63  }
0x2c: {  	_ =	swait.ge [sflag:s12], $0x2000  }
0x2d: {  	s22 =	simm.s32 $0x800;
	s21 =	simm.s32 $0x100;
	[sflag:s12] =	ssyncset.done $0x0  }
.LBB2_2:
0x2e: {  	s23 =	sadd.s32 $0x80, s21  }
0x2f: {  	[sflag:s12] =	ssyncadd.s32 $0xFFFFE000;
	s24 =	smov.u32 s22;
	s25 =	sadd.s32 $0x400, s22  }
0x30: {  	[tilespmem:s16], [sflag:$0x2] =	stream.indirect.gather [hbm4b:s4+s14], $0x40, s23, s14, $0xb8;
	[tilespmem:$0x12F00] =	vst v63  }
0x31: {  	p0 =	sne.s32 s22, $0x9800;
	_ =	swait.ge [sflag:s17], $0x2000  }
0x32: {  	[sflag:s17] =	ssyncset.done $0x0  }
0x33: {  	s22 =	sadd.s32 $0x2780, s21;
	[sflag:s17] =	ssyncadd.s32 $0xFFFFE000  }
0x34: {  	[spmem:s2] =	stream.indirect.scatter.add.f32 [tilespmem:s15], [sflag:$0x3], $0x40, s22, s14, $0xb8;
	[tilespmem:$0x12F00] =	vst v63  }
0x35: {  	_ =	swait.ge [sflag:s12], $0x2000  }
0x36: {  	[sflag:s12] =	ssyncset.done $0x0  }
0x37: {  	s22 =	sadd.s32 $0x100, s21;
	[sflag:s12] =	ssyncadd.s32 $0xFFFFE000  }
0x38: {  	[tilespmem:s15], [sflag:$0x1] =	stream.indirect.gather [hbm4b:s4+s14], $0x40, s22, s14, $0xb8;
	[tilespmem:$0x12F00] =	vst v63  }
0x39: {  	_ =	swait.ge [sflag:s18], $0x2000  }
.Ltmp0:
0x3a: {  	[sflag:s18] =	ssyncset.done $0x0;
	(pc) =	sbr.rel @p0 .LBB2_2-.Ltmp0, $4  }
0x3b: {  	s21 =	sadd.s32 $0x2800, s21;
	[sflag:s18] =	ssyncadd.s32 $0xFFFFE000  }
0x3c: {  	[spmem:s2] =	stream.indirect.scatter.add.f32 [tilespmem:s16], [sflag:$0x3], $0x40, s21, s14, $0xb8;
	[tilespmem:$0x12F00] =	vst v63  }
0x3d: {  	_ =	swait.ge [sflag:s12], $0x2000  }
0x3e: {  	s22 =	smov.u32 s25;
	s21 =	sshra.s32 s24, $0x2;
	[sflag:s12] =	ssyncset.done $0x0  }
0x3f: {  	s22 =	sadd.s32 $0x80, s21;
	[sflag:s12] =	ssyncadd.s32 $0xFFFFE000  }
0x40: {  	[tilespmem:s16], [sflag:$0x2] =	stream.indirect.gather [hbm4b:s4+s14], $0x40, s22, s14, $0xb8;
	[tilespmem:$0x12F00] =	vst v63  }
0x41: {  	_ =	swait.ge [sflag:s17], $0x2000  }
0x42: {  	[sflag:s17] =	ssyncset.done $0x0  }
0x43: {  	s29 =	sadd.s32 $0x2780, s21;
	[sflag:s17] =	ssyncadd.s32 $0xFFFFE000  }
0x44: {  	[spmem:s2] =	stream.indirect.scatter.add.f32 [tilespmem:s15], [sflag:$0x3], $0x40, s29, s14, $0xb8;
	[tilespmem:$0x12F00] =	vst v63  }
0x45: {  	_ =	swait.ge [sflag:s12], $0x2000  }
0x46: {  	[sflag:s12] =	ssyncset.done $0x0  }
0x47: {  	s30 =	sadd.s32 $0x100, s21;
	[sflag:s12] =	ssyncadd.s32 $0xFFFFE000  }
0x48: {  	[tilespmem:s15], [sflag:$0x1] =	stream.indirect.gather [hbm4b:s4+s14], $0x40, s30, s14, $0xb8;
	[tilespmem:$0x12F00] =	vst v63  }
0x49: {  	_ =	swait.ge [sflag:s18], $0x2000  }
0x4a: {  	[sflag:s18] =	ssyncset.done $0x0  }
0x4b: {  	s31 =	sadd.s32 $0x2800, s21;
	[sflag:s18] =	ssyncadd.s32 $0xFFFFE000  }
0x4c: {  	[spmem:s2] =	stream.indirect.scatter.add.f32 [tilespmem:s16], [sflag:$0x3], $0x40, s31, s14, $0xb8;
	[tilespmem:$0x12F00] =	vst v63  }
0x4d: {  	_ =	swait.ge [sflag:s12], $0x2000  }
0x4e: {  	[sflag:s12] =	ssyncset.done $0x0  }
0x4f: {  	[sflag:s12] =	ssyncadd.s32 $0xFFFFE000  }
0x50: {  	_ =	swait.ge [sflag:s17], $0x2000  }
0x51: {  	[sflag:s17] =	ssyncset.done $0x0  }
0x52: {  	[sflag:s17] =	ssyncadd.s32 $0xFFFFE000  }
0x53: {  	[spmem:s2] =	stream.indirect.scatter.add.f32 [tilespmem:s15], [sflag:$0x3], $0x40, s19, s14, $0xb8;
	[tilespmem:$0x12F00] =	vst v63  }
0x54: {  	_ =	swait.ge [sflag:s12], $0x2000  }
0x55: {  	s20 =	sadd.s32 $0x1, s20;
	[sflag:s12] =	ssyncset.done $0x0  }
0x56: {  	p0 =	sne.s32 s20, s10;
	[sflag:s12] =	ssyncadd.s32 $0xFFFFE000  }
.Ltmp1:
0x57: {  	[bflag:$0x0] =	sbarrier.arrive $0xFFFF;
	(pc) =	sbr.rel @p0 .LBB2_1-.Ltmp1, $4  }
0x58: {  	[hbm:s9], [sflag:s6] =	dma.local [spmem:s11], $0x1400  }
0x59: {  	_ =	swait.ge [sflag:s12], $0x1400  }
0x5a: {  	[sflag:s12] =	ssyncset.done $0x0  }
0x5b: {  	[sflag:s12] =	ssyncadd.s32 $0xFFFFEC00  }
0x5c: {  	_ =	sfence.sel $0x180000  }
0x5d: {  	[bflag:$0x0] =	sbarrier.arrive $0xFFFF  }
0x5e: {  	p0 =	sne.s32 s0, $0x0;
	_ =	strace $0x9000004D  }
0x5f: {  	s0 =	sadd.s32 @!p0 $0x100000, s1;
	[bflag:$0x2] =	sbarrier.arrive $0xFFFF  }
0x60: {  	[sflag:s0] =	ssyncadd.tile.s32 @!p0 $0x1;
	_ =	shalt  }
.Lfunc_end2:
_tile_overlayer_lowered:
.L_overlay_start_2:
0x61: {  	(tag) =	ssettag $0x2  }
0x62: {  	s0 =	rddreg [dreg:$0x0];
	s2 =	stileid.u32  }
0x63: {  	s1 =	rddreg [dreg:$0x1];
	p0 =	sne.s32 s2, $0x0  }
0x64: {  	s3 =	rddreg [dreg:$0x2];
	[bflag:$0x3] =	sbarrier.arrive $0xFFFF;
	s2 =	simm.s32 @!p0 $0x1C03  }
0x65: {  	[timem:s3], [sflag:s2] =	dma.local @!p0 [hbm:s0], s1  }
0x66: {  	s0 =	simm.s32 @!p0 $0x3  }
0x67: {  	_ =	swait.ge @!p0 [sflag:s0], s1  }
0x68: {  	s1 =	ssub.s32 @!p0 $0x0, s1;
	[sflag:s0] =	ssyncset.done @!p0 $0x0  }
0x69: {  	[sflag:s0] =	ssyncadd.s32 @!p0 s1  }
0x6a: {  	[bflag:$0x3] =	sbarrier.arrive $0xFFFF  }
0x6b: {  	_ =	shalt  }

</sc_bundles>
